<compile_context>
chip_gen: v7x
topology: tpu7x:2x2x1
jax: 0.10.2.dev20260603
libtpu: 0.0.44.dev20260713+nightly
codegen_flags: <defaults>
</compile_context>

<pallas_src>
import functools

import jax
import jax.numpy as jnp
from jax import lax
from jax.experimental import pallas as pl
from jax.experimental.pallas import tpu as pltpu
from jax.experimental.pallas import tpu_sc as plsc

N_NODES = 10000
N_EDGES = 320000
D = 128
GRAPH_SIZE = 1000
NG = N_NODES // GRAPH_SIZE

NW = 32
NE_PER = N_EDGES // NW
VREGS = NE_PER // 16

BLK = 2560
NB = N_EDGES // BLK

_mesh = plsc.VectorSubcoreMesh(core_axis_name="c", subcore_axis_name="s")
_sc_params = pltpu.CompilerParams(needs_layout_passes=False)



@functools.partial(
    pl.kernel,
    mesh=_mesh,
    out_type=jax.ShapeDtypeStruct((4 * N_EDGES,), jnp.float32),
    compiler_params=_sc_params,
    scratch_types=[
        pltpu.VMEM((2 * N_NODES,), jnp.float32),
        pltpu.VMEM((NE_PER,), jnp.int32),
        pltpu.VMEM((NE_PER,), jnp.int32),
        pltpu.VMEM((NE_PER,), jnp.float32),
        pltpu.VMEM((NE_PER,), jnp.float32),
        pltpu.VMEM((NE_PER,), jnp.float32),
        pltpu.VMEM((NE_PER,), jnp.float32),
    ],
)
def _sc_gather(xflat_hbm, src_hbm, dst_hbm, u4_hbm,
               xflat_v, src_v, dst_v, u0_v, u1_v, u2_v, u3_v):
    wid = lax.axis_index("s") * 2 + lax.axis_index("c")
    base = wid * NE_PER
    pltpu.sync_copy(xflat_hbm, xflat_v)
    pltpu.sync_copy(src_hbm.at[pl.ds(base, NE_PER)], src_v)
    pltpu.sync_copy(dst_hbm.at[pl.ds(base, NE_PER)], dst_v)

    def body(i, _):
        for j in range(5):
            sl = pl.ds((i * 5 + j) * 16, 16)
            s2 = src_v[sl] * 2
            d2 = dst_v[sl] * 2
            u0_v[sl] = plsc.load_gather(xflat_v, [s2])
            u1_v[sl] = plsc.load_gather(xflat_v, [s2 + 1])
            u2_v[sl] = plsc.load_gather(xflat_v, [d2])
            u3_v[sl] = plsc.load_gather(xflat_v, [d2 + 1])
        return 0

    lax.fori_loop(0, VREGS // 5, body, 0)
    pltpu.sync_copy(u0_v, u4_hbm.at[pl.ds(0 * N_EDGES + base, NE_PER)])
    pltpu.sync_copy(u1_v, u4_hbm.at[pl.ds(1 * N_EDGES + base, NE_PER)])
    pltpu.sync_copy(u2_v, u4_hbm.at[pl.ds(2 * N_EDGES + base, NE_PER)])
    pltpu.sync_copy(u3_v, u4_hbm.at[pl.ds(3 * N_EDGES + base, NE_PER)])



def _tc_alpha_body(u4_ref, ea_ref, v4t_ref, we_ref, att_ref, ex_ref):
    u = u4_ref[...]
    vt = v4t_ref[...]
    m = lax.dot_general(vt, u, (((1,), (0,)), ((), ())),
                        preferred_element_type=jnp.float32)
    m = m + we_ref[...] * ea_ref[0]
    m = jnp.where(m > 0, m, m * 0.2)
    t = m * att_ref[...]
    alpha = jnp.sum(t, axis=0, keepdims=True)
    ex_ref[0] = jnp.exp(alpha)


def _tc_alpha(u4, ea_rows, v4t, we_col, att_col):
    return pl.pallas_call(
        _tc_alpha_body,
        grid=(NB,),
        in_specs=[
            pl.BlockSpec((4, BLK), lambda i: (0, i)),
            pl.BlockSpec((1, 1, BLK), lambda i: (i, 0, 0)),
            pl.BlockSpec((D, 4), lambda i: (0, 0)),
            pl.BlockSpec((D, 1), lambda i: (0, 0)),
            pl.BlockSpec((D, 1), lambda i: (0, 0)),
        ],
        out_specs=pl.BlockSpec((1, 1, BLK), lambda i: (i, 0, 0)),
        out_shape=jax.ShapeDtypeStruct((NB, 1, BLK), jnp.float32),
    )(u4, ea_rows, v4t, we_col, att_col)



@functools.partial(
    pl.kernel,
    mesh=_mesh,
    out_type=jax.ShapeDtypeStruct((3 * NW * N_NODES,), jnp.float32),
    compiler_params=_sc_params,
    scratch_types=[
        pltpu.VMEM((NE_PER,), jnp.float32),
        pltpu.VMEM((NE_PER,), jnp.float32),
        pltpu.VMEM((NE_PER,), jnp.int32),
        pltpu.VMEM((NE_PER,), jnp.float32),
        pltpu.VMEM((3 * N_NODES,), jnp.float32),
    ],
)
def _sc_scatter(u4_hbm, dst_hbm, ex_hbm, acc_hbm,
                xs0_v, xs1_v, dst_v, ex_v, acc_v):
    wid = lax.axis_index("s") * 2 + lax.axis_index("c")
    base = wid * NE_PER
    pltpu.sync_copy(u4_hbm.at[pl.ds(base, NE_PER)], xs0_v)
    pltpu.sync_copy(u4_hbm.at[pl.ds(N_EDGES + base, NE_PER)], xs1_v)
    pltpu.sync_copy(dst_hbm.at[pl.ds(base, NE_PER)], dst_v)
    pltpu.sync_copy(ex_hbm.at[pl.ds(base, NE_PER)], ex_v)

    def zero(i, _):
        for j in range(15):
            acc_v[pl.ds((i * 15 + j) * 16, 16)] = jnp.zeros((16,), jnp.float32)
        return 0

    lax.fori_loop(0, (3 * N_NODES) // (16 * 15), zero, 0)

    def body(i, _):
        for j in range(5):
            sl = pl.ds((i * 5 + j) * 16, 16)
            d = dst_v[sl]
            ex = ex_v[sl]
            v1 = ex * xs0_v[sl]
            v2 = ex * xs1_v[sl]
            cnt, _ = plsc.scan_count(d)
            first = cnt == 1
            plsc.addupdate_scatter(acc_v, [d], ex, mask=first)
            plsc.addupdate_scatter(acc_v, [d + N_NODES], v1, mask=first)
            plsc.addupdate_scatter(acc_v, [d + 2 * N_NODES], v2, mask=first)

            @pl.when(jnp.any(cnt != 1))
            def _slow():
                def dup(k, _):
                    m = cnt == 1 + k
                    plsc.addupdate_scatter(acc_v, [d], ex, mask=m)
                    plsc.addupdate_scatter(acc_v, [d + N_NODES], v1, mask=m)
                    plsc.addupdate_scatter(acc_v, [d + 2 * N_NODES], v2,
                                           mask=m)
                    return 0
                lax.fori_loop(1, 16, dup, 0)
        return 0

    lax.fori_loop(0, VREGS // 5, body, 0)
    for c in range(3):
        pltpu.sync_copy(
            acc_v.at[pl.ds(c * N_NODES, N_NODES)],
            acc_hbm.at[pl.ds((c * NW + wid) * N_NODES, N_NODES)])



def _tc_decode_body(acc_ref, wlt_ref, bias_ref, gamma_ref, beta_ref,
                    pi_ref, zt_s):
    g = pl.program_id(0)

    @pl.when(g == 0)
    def _init():
        a = acc_ref[...]
        r = jnp.sum(a, axis=1)
        inv = 1.0 / (r[0] + 1e-16)
        sx = (r[1] * inv)[:, None, :]
        sy = (r[2] * inv)[:, None, :]
        w0 = wlt_ref[:, 0:1][None]
        w1 = wlt_ref[:, 1:2][None]
        out = sx * w0 + sy * w1 + bias_ref[...][None]
        mu = jnp.sum(jnp.sum(out, axis=0, keepdims=True),
                     axis=2, keepdims=True) / N_NODES
        ctr = out - mu
        var = jnp.sum(jnp.sum(ctr * ctr, axis=0, keepdims=True),
                      axis=2, keepdims=True) / N_NODES
        zt = ctr / jnp.sqrt(var + 1e-5) * gamma_ref[...][None] \
            + beta_ref[...][None]
        zt_s[...] = jnp.maximum(zt, 0.0)

    zg = zt_s[g].astype(jnp.bfloat16)
    lg = lax.dot_general(zg, zg, (((0,), (0,)), ((), ())),
                         preferred_element_type=jnp.float32)
    mx = jnp.max(lg, axis=0, keepdims=True)
    e = jnp.exp(lg - mx)
    s = jnp.sum(e, axis=0, keepdims=True)
    pi_ref[...] = (e / s)[None]


def _tc_decode(acc4, wlt, bias_col, gamma_col, beta_col):
    return pl.pallas_call(
        _tc_decode_body,
        grid=(NG,),
        in_specs=[
            pl.BlockSpec((3, NW, NG, GRAPH_SIZE), lambda g: (0, 0, 0, 0)),
            pl.BlockSpec((D, 2), lambda g: (0, 0)),
            pl.BlockSpec((D, 1), lambda g: (0, 0)),
            pl.BlockSpec((D, 1), lambda g: (0, 0)),
            pl.BlockSpec((D, 1), lambda g: (0, 0)),
        ],
        out_specs=pl.BlockSpec((1, GRAPH_SIZE, GRAPH_SIZE),
                               lambda g: (g, 0, 0)),
        out_shape=jax.ShapeDtypeStruct((NG, GRAPH_SIZE, GRAPH_SIZE),
                                       jnp.float32),
        scratch_shapes=[pltpu.VMEM((NG, D, GRAPH_SIZE), jnp.float32)],
    )(acc4, wlt, bias_col, gamma_col, beta_col)



def kernel(x, edge_index, edge_attributes, W_l, W_r, W_e, att, bias,
           bn_gamma, bn_beta):
    bf = lambda a: lax.optimization_barrier(
        a.astype(jnp.bfloat16)).astype(jnp.float32)
    xflat = bf(x).reshape(-1)
    src = edge_index[0].astype(jnp.int32)
    dst = edge_index[1].astype(jnp.int32)
    ea_rows = edge_attributes.astype(jnp.float32).reshape(NB, 1, BLK)
    wl_q = bf(W_l)

    v4t = jnp.concatenate([wl_q, bf(W_r)], axis=0).T
    we_col = W_e.astype(jnp.float32).reshape(1, D).T
    att_col = att.astype(jnp.float32).reshape(1, D).T

    u4flat = _sc_gather(xflat, src, dst)
    ex = _tc_alpha(u4flat.reshape(4, N_EDGES), ea_rows,
                   v4t, we_col, att_col)
    acc4 = _sc_scatter(u4flat, dst,
                       ex.reshape(-1)).reshape(3, NW, NG, GRAPH_SIZE)
    pi = _tc_decode(acc4, wl_q.T,
                    bias.astype(jnp.float32).reshape(D, 1),
                    bn_gamma.reshape(D, 1), bn_beta.reshape(D, 1))
    return pi

# --- scband reference (transcript-rebuilt; emitter-appended) ---
"""Pipeline reference for scband-graph2-graph-47991964566058 (READ-ONLY COPY).

The authoritative reference and input builder live on the scoring server;
editing this copy changes nothing except your own understanding.
"""

import jax, jax.numpy as jnp
import numpy as np

GRAPH_SIZE = 1000
HIDDEN = 128
HEADS = 1
D = HIDDEN * HEADS
N_NODES = 10000
N_EDGES = 320000


def setup_inputs(seed: int = 0) -> dict:
    key = jax.random.key(seed)
    ks = jax.random.split(key, 10)
    x = jax.random.normal(ks[0], (N_NODES, 2), dtype=jnp.float32)
    edge_index = jax.random.randint(ks[1], (2, N_EDGES), 0, N_NODES)
    edge_attributes = jax.random.normal(ks[2], (N_EDGES, 1), dtype=jnp.float32)
    # GATv2Conv params (in_channels=2, out_channels=HIDDEN, heads=HEADS, edge_dim=1)
    W_l = jax.random.normal(ks[3], (2, D), dtype=jnp.float32) * 0.5
    W_r = jax.random.normal(ks[4], (2, D), dtype=jnp.float32) * 0.5
    W_e = jax.random.normal(ks[5], (1, D), dtype=jnp.float32) * 0.5
    att = jax.random.normal(ks[6], (D,), dtype=jnp.float32) * 0.5
    bias = jnp.zeros((D,), dtype=jnp.float32)
    bn_gamma = jnp.ones((D,), dtype=jnp.float32)
    bn_beta = jnp.zeros((D,), dtype=jnp.float32)
    return {"x": x, "edge_index": edge_index, "edge_attributes": edge_attributes,
            "W_l": W_l, "W_r": W_r, "W_e": W_e, "att": att, "bias": bias,
            "bn_gamma": bn_gamma, "bn_beta": bn_beta}


def reference(x, edge_index, edge_attributes, W_l, W_r, W_e, att, bias, bn_gamma, bn_beta):
    N = x.shape[0]
    src = edge_index[0]
    dst = edge_index[1]
    # --- GATv2Conv (heads=1, concat=True) ---
    x_l = x @ W_l                       # [N, D] (source transform)
    x_r = x @ W_r                       # [N, D] (target transform)
    e_emb = edge_attributes @ W_e       # [E, D]
    m = x_l[src] + x_r[dst] + e_emb     # [E, D]
    m = jax.nn.leaky_relu(m, 0.2)
    alpha = (m * att).sum(-1)           # [E]
    # softmax over incoming edges per destination node
    amax = jax.ops.segment_max(alpha, dst, num_segments=N)
    amax = jnp.where(jnp.isfinite(amax), amax, 0.0)
    amax = jax.lax.stop_gradient(amax)
    ex = jnp.exp(alpha - amax[dst])
    denom = jax.ops.segment_sum(ex, dst, num_segments=N)
    a = ex / (denom[dst] + 1e-16)       # [E]
    out = jax.ops.segment_sum(a[:, None] * x_l[src], dst, num_segments=N) + bias  # [N, D]
    # --- BatchNorm1d (training-mode batch stats) + ReLU ---
    mean = out.mean(axis=0)
    var = ((out - mean) ** 2).mean(axis=0)
    z = (out - mean) / jnp.sqrt(var + 1e-5) * bn_gamma + bn_beta
    z = jax.nn.relu(z)                  # [N, D]
    # --- DotDecoder: per-graph dot-product + column-wise softmax ---
    B = N // GRAPH_SIZE
    zb = z.reshape(B, GRAPH_SIZE, D)
    logits = jnp.einsum('bnd,bmd->bnm', zb, zb)  # [B, gs, gs]
    # torch softmax(src=logit.view(gs*gs), index=arange(gs).repeat(gs)) groups by
    # column index -> softmax over rows (axis=1)
    pi = jax.nn.softmax(logits, axis=1)
    return pi

if __name__ == "__main__":
    import jax
    _d = setup_inputs()
    print(jax.jit(kernel)(*tuple(_d.values())))

</pallas_src>

<mosaic_0001>
#map = affine_map<(d0, d1) -> (0)>
module attributes {stable_mosaic.version = 14 : i64} {
  func.func @_sc_scatter(%arg0: i32, %arg1: i32, %arg2: memref<1280000xf32, #tpu.memory_space<hbm>>, %arg3: memref<320000xi32, #tpu.memory_space<hbm>>, %arg4: memref<320000xf32, #tpu.memory_space<hbm>>, %arg5: memref<960000xf32, #tpu.memory_space<hbm>>, %arg6: memref<10000xf32, #tpu.memory_space<vmem>>, %arg7: memref<10000xf32, #tpu.memory_space<vmem>>, %arg8: memref<10000xi32, #tpu.memory_space<vmem>>, %arg9: memref<10000xf32, #tpu.memory_space<vmem>>, %arg10: memref<30000xf32, #tpu.memory_space<vmem>>) attributes {dimension_semantics = [#tpu.dimension_semantics<core_parallel>, #tpu.dimension_semantics<subcore_parallel>], iteration_bounds = array<i64: 2, 16>, scalar_prefetch = 0 : i64, scratch_operands = 5 : i64, tpu.core_type = #tpu.core_type<sc_vector_subcore>, window_params = [{transform_indices = #map}, {transform_indices = #map}, {transform_indices = #map}, {transform_indices = #map}]} {
    %mul3A = arith.constant 2 : i32
    %mul3A_0 = arith.muli %arg1, %mul3A : i32
    %add3A = arith.addi %mul3A_0, %arg0 : i32
    %mul3A_1 = arith.constant 10000 : i32
    %mul3A_2 = arith.muli %add3A, %mul3A_1 : i32
    "tpu.region"() ({
      %run_scoped3A = tpu.sem_alloc : memref<!tpu.dma_semaphore, #tpu.memory_space<semaphore_mem>>
      %dma_start3A = tpu.memref_slice %arg2[%mul3A_2] : memref<1280000xf32, #tpu.memory_space<hbm>> -> memref<10000xf32, #tpu.memory_space<hbm>>
      %dma_start3A_30 = tpu.memref_slice %arg2[%mul3A_2] : memref<1280000xf32, #tpu.memory_space<hbm>> -> memref<10000xf32, #tpu.memory_space<hbm>>
      tpu.enqueue_dma source(%dma_start3A_30 : memref<10000xf32, #tpu.memory_space<hbm>>) target(%arg6 : memref<10000xf32, #tpu.memory_space<vmem>>) target_semaphore(%run_scoped3A : memref<!tpu.dma_semaphore, #tpu.memory_space<semaphore_mem>>)
      %dma_wait3A = tpu.memref_slice %arg2[%mul3A_2] : memref<1280000xf32, #tpu.memory_space<hbm>> -> memref<10000xf32, #tpu.memory_space<hbm>>
      %dma_wait3A_31 = tpu.memref_slice %arg2[%mul3A_2] : memref<1280000xf32, #tpu.memory_space<hbm>> -> memref<10000xf32, #tpu.memory_space<hbm>>
      tpu.wait_dma2 semaphore(%run_scoped3A : memref<!tpu.dma_semaphore, #tpu.memory_space<semaphore_mem>>) src(%dma_wait3A_31 : memref<10000xf32, #tpu.memory_space<hbm>>) dst(%arg6 : memref<10000xf32, #tpu.memory_space<vmem>>)
      tpu.yield
    }) : () -> ()
    %add3A_3 = arith.constant 320000 : i32
    %add3A_4 = arith.addi %add3A_3, %mul3A_2 : i32
    "tpu.region"() ({
      %run_scoped3A = tpu.sem_alloc : memref<!tpu.dma_semaphore, #tpu.memory_space<semaphore_mem>>
      %dma_start3A = tpu.memref_slice %arg2[%add3A_4] : memref<1280000xf32, #tpu.memory_space<hbm>> -> memref<10000xf32, #tpu.memory_space<hbm>>
      %dma_start3A_30 = tpu.memref_slice %arg2[%add3A_4] : memref<1280000xf32, #tpu.memory_space<hbm>> -> memref<10000xf32, #tpu.memory_space<hbm>>
      tpu.enqueue_dma source(%dma_start3A_30 : memref<10000xf32, #tpu.memory_space<hbm>>) target(%arg7 : memref<10000xf32, #tpu.memory_space<vmem>>) target_semaphore(%run_scoped3A : memref<!tpu.dma_semaphore, #tpu.memory_space<semaphore_mem>>)
      %dma_wait3A = tpu.memref_slice %arg2[%add3A_4] : memref<1280000xf32, #tpu.memory_space<hbm>> -> memref<10000xf32, #tpu.memory_space<hbm>>
      %dma_wait3A_31 = tpu.memref_slice %arg2[%add3A_4] : memref<1280000xf32, #tpu.memory_space<hbm>> -> memref<10000xf32, #tpu.memory_space<hbm>>
      tpu.wait_dma2 semaphore(%run_scoped3A : memref<!tpu.dma_semaphore, #tpu.memory_space<semaphore_mem>>) src(%dma_wait3A_31 : memref<10000xf32, #tpu.memory_space<hbm>>) dst(%arg7 : memref<10000xf32, #tpu.memory_space<vmem>>)
      tpu.yield
    }) : () -> ()
    "tpu.region"() ({
      %run_scoped3A = tpu.sem_alloc : memref<!tpu.dma_semaphore, #tpu.memory_space<semaphore_mem>>
      %dma_start3A = tpu.memref_slice %arg3[%mul3A_2] : memref<320000xi32, #tpu.memory_space<hbm>> -> memref<10000xi32, #tpu.memory_space<hbm>>
      %dma_start3A_30 = tpu.memref_slice %arg3[%mul3A_2] : memref<320000xi32, #tpu.memory_space<hbm>> -> memref<10000xi32, #tpu.memory_space<hbm>>
      tpu.enqueue_dma source(%dma_start3A_30 : memref<10000xi32, #tpu.memory_space<hbm>>) target(%arg8 : memref<10000xi32, #tpu.memory_space<vmem>>) target_semaphore(%run_scoped3A : memref<!tpu.dma_semaphore, #tpu.memory_space<semaphore_mem>>)
      %dma_wait3A = tpu.memref_slice %arg3[%mul3A_2] : memref<320000xi32, #tpu.memory_space<hbm>> -> memref<10000xi32, #tpu.memory_space<hbm>>
      %dma_wait3A_31 = tpu.memref_slice %arg3[%mul3A_2] : memref<320000xi32, #tpu.memory_space<hbm>> -> memref<10000xi32, #tpu.memory_space<hbm>>
      tpu.wait_dma2 semaphore(%run_scoped3A : memref<!tpu.dma_semaphore, #tpu.memory_space<semaphore_mem>>) src(%dma_wait3A_31 : memref<10000xi32, #tpu.memory_space<hbm>>) dst(%arg8 : memref<10000xi32, #tpu.memory_space<vmem>>)
      tpu.yield
    }) : () -> ()
    "tpu.region"() ({
      %run_scoped3A = tpu.sem_alloc : memref<!tpu.dma_semaphore, #tpu.memory_space<semaphore_mem>>
      %dma_start3A = tpu.memref_slice %arg4[%mul3A_2] : memref<320000xf32, #tpu.memory_space<hbm>> -> memref<10000xf32, #tpu.memory_space<hbm>>
      %dma_start3A_30 = tpu.memref_slice %arg4[%mul3A_2] : memref<320000xf32, #tpu.memory_space<hbm>> -> memref<10000xf32, #tpu.memory_space<hbm>>
      tpu.enqueue_dma source(%dma_start3A_30 : memref<10000xf32, #tpu.memory_space<hbm>>) target(%arg9 : memref<10000xf32, #tpu.memory_space<vmem>>) target_semaphore(%run_scoped3A : memref<!tpu.dma_semaphore, #tpu.memory_space<semaphore_mem>>)
      %dma_wait3A = tpu.memref_slice %arg4[%mul3A_2] : memref<320000xf32, #tpu.memory_space<hbm>> -> memref<10000xf32, #tpu.memory_space<hbm>>
      %dma_wait3A_31 = tpu.memref_slice %arg4[%mul3A_2] : memref<320000xf32, #tpu.memory_space<hbm>> -> memref<10000xf32, #tpu.memory_space<hbm>>
      tpu.wait_dma2 semaphore(%run_scoped3A : memref<!tpu.dma_semaphore, #tpu.memory_space<semaphore_mem>>) src(%dma_wait3A_31 : memref<10000xf32, #tpu.memory_space<hbm>>) dst(%arg9 : memref<10000xf32, #tpu.memory_space<vmem>>)
      tpu.yield
    }) : () -> ()
    %scan3A = arith.constant 0 : i32
    %scan3A_5 = arith.constant 0 : i32
    %scan3A_6 = arith.constant 125 : i32
    %scan3A_7 = arith.addi %scan3A_5, %scan3A_6 : i32
    %scan3A_8 = arith.constant 1 : i32
    %scan3A_9 = scf.for %scan3A_30 = %scan3A_5 to %scan3A_7 step %scan3A_8 iter_args(%scan3A_31 = %scan3A) -> (i32)  : i32 {
      %broadcast_in_dim3A = arith.constant 0.000000e+00 : f32
      %broadcast_in_dim3A_32 = vector.broadcast %broadcast_in_dim3A : f32 to vector<16xf32>
      %mul3A_33 = arith.constant 15 : i32
      %mul3A_34 = arith.muli %scan3A_30, %mul3A_33 : i32
      %add3A_35 = arith.constant 0 : i32
      %add3A_36 = arith.addi %mul3A_34, %add3A_35 : i32
      %mul3A_37 = arith.constant 16 : i32
      %mul3A_38 = arith.muli %add3A_36, %mul3A_37 : i32
      %swap3A = arith.index_cast %mul3A_38 : i32 to index
      %swap3A_39 = tpu.vector_load %arg10[%swap3A] {strides = array<i32>} : memref<30000xf32, #tpu.memory_space<vmem>>, vector<16xf32>,
      tpu.vector_store %arg10[%swap3A], %broadcast_in_dim3A_32 {strides = array<i32>} : memref<30000xf32, #tpu.memory_space<vmem>>, vector<16xf32>,
      %broadcast_in_dim3A_40 = arith.constant 0.000000e+00 : f32
      %broadcast_in_dim3A_41 = vector.broadcast %broadcast_in_dim3A_40 : f32 to vector<16xf32>
      %mul3A_42 = arith.constant 15 : i32
      %mul3A_43 = arith.muli %scan3A_30, %mul3A_42 : i32
      %add3A_44 = arith.constant 1 : i32
      %add3A_45 = arith.addi %mul3A_43, %add3A_44 : i32
      %mul3A_46 = arith.constant 16 : i32
      %mul3A_47 = arith.muli %add3A_45, %mul3A_46 : i32
      %swap3A_48 = arith.index_cast %mul3A_47 : i32 to index
      %swap3A_49 = tpu.vector_load %arg10[%swap3A_48] {strides = array<i32>} : memref<30000xf32, #tpu.memory_space<vmem>>, vector<16xf32>,
      tpu.vector_store %arg10[%swap3A_48], %broadcast_in_dim3A_41 {strides = array<i32>} : memref<30000xf32, #tpu.memory_space<vmem>>, vector<16xf32>,
      %broadcast_in_dim3A_50 = arith.constant 0.000000e+00 : f32
      %broadcast_in_dim3A_51 = vector.broadcast %broadcast_in_dim3A_50 : f32 to vector<16xf32>
      %mul3A_52 = arith.constant 15 : i32
      %mul3A_53 = arith.muli %scan3A_30, %mul3A_52 : i32
      %add3A_54 = arith.constant 2 : i32
      %add3A_55 = arith.addi %mul3A_53, %add3A_54 : i32
      %mul3A_56 = arith.constant 16 : i32
      %mul3A_57 = arith.muli %add3A_55, %mul3A_56 : i32
      %swap3A_58 = arith.index_cast %mul3A_57 : i32 to index
      %swap3A_59 = tpu.vector_load %arg10[%swap3A_58] {strides = array<i32>} : memref<30000xf32, #tpu.memory_space<vmem>>, vector<16xf32>,
      tpu.vector_store %arg10[%swap3A_58], %broadcast_in_dim3A_51 {strides = array<i32>} : memref<30000xf32, #tpu.memory_space<vmem>>, vector<16xf32>,
      %broadcast_in_dim3A_60 = arith.constant 0.000000e+00 : f32
      %broadcast_in_dim3A_61 = vector.broadcast %broadcast_in_dim3A_60 : f32 to vector<16xf32>
      %mul3A_62 = arith.constant 15 : i32
      %mul3A_63 = arith.muli %scan3A_30, %mul3A_62 : i32
      %add3A_64 = arith.constant 3 : i32
      %add3A_65 = arith.addi %mul3A_63, %add3A_64 : i32
      %mul3A_66 = arith.constant 16 : i32
      %mul3A_67 = arith.muli %add3A_65, %mul3A_66 : i32
      %swap3A_68 = arith.index_cast %mul3A_67 : i32 to index
      %swap3A_69 = tpu.vector_load %arg10[%swap3A_68] {strides = array<i32>} : memref<30000xf32, #tpu.memory_space<vmem>>, vector<16xf32>,
      tpu.vector_store %arg10[%swap3A_68], %broadcast_in_dim3A_61 {strides = array<i32>} : memref<30000xf32, #tpu.memory_space<vmem>>, vector<16xf32>,
      %broadcast_in_dim3A_70 = arith.constant 0.000000e+00 : f32
      %broadcast_in_dim3A_71 = vector.broadcast %broadcast_in_dim3A_70 : f32 to vector<16xf32>
      %mul3A_72 = arith.constant 15 : i32
      %mul3A_73 = arith.muli %scan3A_30, %mul3A_72 : i32
      %add3A_74 = arith.constant 4 : i32
      %add3A_75 = arith.addi %mul3A_73, %add3A_74 : i32
      %mul3A_76 = arith.constant 16 : i32
      %mul3A_77 = arith.muli %add3A_75, %mul3A_76 : i32
      %swap3A_78 = arith.index_cast %mul3A_77 : i32 to index
      %swap3A_79 = tpu.vector_load %arg10[%swap3A_78] {strides = array<i32>} : memref<30000xf32, #tpu.memory_space<vmem>>, vector<16xf32>,
      tpu.vector_store %arg10[%swap3A_78], %broadcast_in_dim3A_71 {strides = array<i32>} : memref<30000xf32, #tpu.memory_space<vmem>>, vector<16xf32>,
      %broadcast_in_dim3A_80 = arith.constant 0.000000e+00 : f32
      %broadcast_in_dim3A_81 = vector.broadcast %broadcast_in_dim3A_80 : f32 to vector<16xf32>
      %mul3A_82 = arith.constant 15 : i32
      %mul3A_83 = arith.muli %scan3A_30, %mul3A_82 : i32
      %add3A_84 = arith.constant 5 : i32
      %add3A_85 = arith.addi %mul3A_83, %add3A_84 : i32
      %mul3A_86 = arith.constant 16 : i32
      %mul3A_87 = arith.muli %add3A_85, %mul3A_86 : i32
      %swap3A_88 = arith.index_cast %mul3A_87 : i32 to index
      %swap3A_89 = tpu.vector_load %arg10[%swap3A_88] {strides = array<i32>} : memref<30000xf32, #tpu.memory_space<vmem>>, vector<16xf32>,
      tpu.vector_store %arg10[%swap3A_88], %broadcast_in_dim3A_81 {strides = array<i32>} : memref<30000xf32, #tpu.memory_space<vmem>>, vector<16xf32>,
      %broadcast_in_dim3A_90 = arith.constant 0.000000e+00 : f32
      %broadcast_in_dim3A_91 = vector.broadcast %broadcast_in_dim3A_90 : f32 to vector<16xf32>
      %mul3A_92 = arith.constant 15 : i32
      %mul3A_93 = arith.muli %scan3A_30, %mul3A_92 : i32
      %add3A_94 = arith.constant 6 : i32
      %add3A_95 = arith.addi %mul3A_93, %add3A_94 : i32
      %mul3A_96 = arith.constant 16 : i32
      %mul3A_97 = arith.muli %add3A_95, %mul3A_96 : i32
      %swap3A_98 = arith.index_cast %mul3A_97 : i32 to index
      %swap3A_99 = tpu.vector_load %arg10[%swap3A_98] {strides = array<i32>} : memref<30000xf32, #tpu.memory_space<vmem>>, vector<16xf32>,
      tpu.vector_store %arg10[%swap3A_98], %broadcast_in_dim3A_91 {strides = array<i32>} : memref<30000xf32, #tpu.memory_space<vmem>>, vector<16xf32>,
      %broadcast_in_dim3A_100 = arith.constant 0.000000e+00 : f32
      %broadcast_in_dim3A_101 = vector.broadcast %broadcast_in_dim3A_100 : f32 to vector<16xf32>
      %mul3A_102 = arith.constant 15 : i32
      %mul3A_103 = arith.muli %scan3A_30, %mul3A_102 : i32
      %add3A_104 = arith.constant 7 : i32
      %add3A_105 = arith.addi %mul3A_103, %add3A_104 : i32
      %mul3A_106 = arith.constant 16 : i32
      %mul3A_107 = arith.muli %add3A_105, %mul3A_106 : i32
      %swap3A_108 = arith.index_cast %mul3A_107 : i32 to index
      %swap3A_109 = tpu.vector_load %arg10[%swap3A_108] {strides = array<i32>} : memref<30000xf32, #tpu.memory_space<vmem>>, vector<16xf32>,
      tpu.vector_store %arg10[%swap3A_108], %broadcast_in_dim3A_101 {strides = array<i32>} : memref<30000xf32, #tpu.memory_space<vmem>>, vector<16xf32>,
      %broadcast_in_dim3A_110 = arith.constant 0.000000e+00 : f32
      %broadcast_in_dim3A_111 = vector.broadcast %broadcast_in_dim3A_110 : f32 to vector<16xf32>
      %mul3A_112 = arith.constant 15 : i32
      %mul3A_113 = arith.muli %scan3A_30, %mul3A_112 : i32
      %add3A_114 = arith.constant 8 : i32
      %add3A_115 = arith.addi %mul3A_113, %add3A_114 : i32
      %mul3A_116 = arith.constant 16 : i32
      %mul3A_117 = arith.muli %add3A_115, %mul3A_116 : i32
      %swap3A_118 = arith.index_cast %mul3A_117 : i32 to index
      %swap3A_119 = tpu.vector_load %arg10[%swap3A_118] {strides = array<i32>} : memref<30000xf32, #tpu.memory_space<vmem>>, vector<16xf32>,
      tpu.vector_store %arg10[%swap3A_118], %broadcast_in_dim3A_111 {strides = array<i32>} : memref<30000xf32, #tpu.memory_space<vmem>>, vector<16xf32>,
      %broadcast_in_dim3A_120 = arith.constant 0.000000e+00 : f32
      %broadcast_in_dim3A_121 = vector.broadcast %broadcast_in_dim3A_120 : f32 to vector<16xf32>
      %mul3A_122 = arith.constant 15 : i32
      %mul3A_123 = arith.muli %scan3A_30, %mul3A_122 : i32
      %add3A_124 = arith.constant 9 : i32
      %add3A_125 = arith.addi %mul3A_123, %add3A_124 : i32
      %mul3A_126 = arith.constant 16 : i32
      %mul3A_127 = arith.muli %add3A_125, %mul3A_126 : i32
      %swap3A_128 = arith.index_cast %mul3A_127 : i32 to index
      %swap3A_129 = tpu.vector_load %arg10[%swap3A_128] {strides = array<i32>} : memref<30000xf32, #tpu.memory_space<vmem>>, vector<16xf32>,
      tpu.vector_store %arg10[%swap3A_128], %broadcast_in_dim3A_121 {strides = array<i32>} : memref<30000xf32, #tpu.memory_space<vmem>>, vector<16xf32>,
      %broadcast_in_dim3A_130 = arith.constant 0.000000e+00 : f32
      %broadcast_in_dim3A_131 = vector.broadcast %broadcast_in_dim3A_130 : f32 to vector<16xf32>
      %mul3A_132 = arith.constant 15 : i32
      %mul3A_133 = arith.muli %scan3A_30, %mul3A_132 : i32
      %add3A_134 = arith.constant 10 : i32
      %add3A_135 = arith.addi %mul3A_133, %add3A_134 : i32
      %mul3A_136 = arith.constant 16 : i32
      %mul3A_137 = arith.muli %add3A_135, %mul3A_136 : i32
      %swap3A_138 = arith.index_cast %mul3A_137 : i32 to index
      %swap3A_139 = tpu.vector_load %arg10[%swap3A_138] {strides = array<i32>} : memref<30000xf32, #tpu.memory_space<vmem>>, vector<16xf32>,
      tpu.vector_store %arg10[%swap3A_138], %broadcast_in_dim3A_131 {strides = array<i32>} : memref<30000xf32, #tpu.memory_space<vmem>>, vector<16xf32>,
      %broadcast_in_dim3A_140 = arith.constant 0.000000e+00 : f32
      %broadcast_in_dim3A_141 = vector.broadcast %broadcast_in_dim3A_140 : f32 to vector<16xf32>
      %mul3A_142 = arith.constant 15 : i32
      %mul3A_143 = arith.muli %scan3A_30, %mul3A_142 : i32
      %add3A_144 = arith.constant 11 : i32
      %add3A_145 = arith.addi %mul3A_143, %add3A_144 : i32
      %mul3A_146 = arith.constant 16 : i32
      %mul3A_147 = arith.muli %add3A_145, %mul3A_146 : i32
      %swap3A_148 = arith.index_cast %mul3A_147 : i32 to index
      %swap3A_149 = tpu.vector_load %arg10[%swap3A_148] {strides = array<i32>} : memref<30000xf32, #tpu.memory_space<vmem>>, vector<16xf32>,
      tpu.vector_store %arg10[%swap3A_148], %broadcast_in_dim3A_141 {strides = array<i32>} : memref<30000xf32, #tpu.memory_space<vmem>>, vector<16xf32>,
      %broadcast_in_dim3A_150 = arith.constant 0.000000e+00 : f32
      %broadcast_in_dim3A_151 = vector.broadcast %broadcast_in_dim3A_150 : f32 to vector<16xf32>
      %mul3A_152 = arith.constant 15 : i32
      %mul3A_153 = arith.muli %scan3A_30, %mul3A_152 : i32
      %add3A_154 = arith.constant 12 : i32
      %add3A_155 = arith.addi %mul3A_153, %add3A_154 : i32
      %mul3A_156 = arith.constant 16 : i32
      %mul3A_157 = arith.muli %add3A_155, %mul3A_156 : i32
      %swap3A_158 = arith.index_cast %mul3A_157 : i32 to index
      %swap3A_159 = tpu.vector_load %arg10[%swap3A_158] {strides = array<i32>} : memref<30000xf32, #tpu.memory_space<vmem>>, vector<16xf32>,
      tpu.vector_store %arg10[%swap3A_158], %broadcast_in_dim3A_151 {strides = array<i32>} : memref<30000xf32, #tpu.memory_space<vmem>>, vector<16xf32>,
      %broadcast_in_dim3A_160 = arith.constant 0.000000e+00 : f32
      %broadcast_in_dim3A_161 = vector.broadcast %broadcast_in_dim3A_160 : f32 to vector<16xf32>
      %mul3A_162 = arith.constant 15 : i32
      %mul3A_163 = arith.muli %scan3A_30, %mul3A_162 : i32
      %add3A_164 = arith.constant 13 : i32
      %add3A_165 = arith.addi %mul3A_163, %add3A_164 : i32
      %mul3A_166 = arith.constant 16 : i32
      %mul3A_167 = arith.muli %add3A_165, %mul3A_166 : i32
      %swap3A_168 = arith.index_cast %mul3A_167 : i32 to index
      %swap3A_169 = tpu.vector_load %arg10[%swap3A_168] {strides = array<i32>} : memref<30000xf32, #tpu.memory_space<vmem>>, vector<16xf32>,
      tpu.vector_store %arg10[%swap3A_168], %broadcast_in_dim3A_161 {strides = array<i32>} : memref<30000xf32, #tpu.memory_space<vmem>>, vector<16xf32>,
      %broadcast_in_dim3A_170 = arith.constant 0.000000e+00 : f32
      %broadcast_in_dim3A_171 = vector.broadcast %broadcast_in_dim3A_170 : f32 to vector<16xf32>
      %mul3A_172 = arith.constant 15 : i32
      %mul3A_173 = arith.muli %scan3A_30, %mul3A_172 : i32
      %add3A_174 = arith.constant 14 : i32
      %add3A_175 = arith.addi %mul3A_173, %add3A_174 : i32
      %mul3A_176 = arith.constant 16 : i32
      %mul3A_177 = arith.muli %add3A_175, %mul3A_176 : i32
      %swap3A_178 = arith.index_cast %mul3A_177 : i32 to index
      %swap3A_179 = tpu.vector_load %arg10[%swap3A_178] {strides = array<i32>} : memref<30000xf32, #tpu.memory_space<vmem>>, vector<16xf32>,
      tpu.vector_store %arg10[%swap3A_178], %broadcast_in_dim3A_171 {strides = array<i32>} : memref<30000xf32, #tpu.memory_space<vmem>>, vector<16xf32>,
      %scan3A_180 = arith.constant 0 : i32
      scf.yield %scan3A_180 : i32
    }
    %scan3A_10 = arith.constant 125 : i32
    %scan3A_11 = arith.constant 0 : i32
    %scan3A_12 = arith.constant 0 : i32
    %scan3A_13 = arith.constant 125 : i32
    %scan3A_14 = arith.addi %scan3A_12, %scan3A_13 : i32
    %scan3A_15 = arith.constant 1 : i32
    %scan3A_16 = scf.for %scan3A_30 = %scan3A_12 to %scan3A_14 step %scan3A_15 iter_args(%scan3A_31 = %scan3A_11) -> (i32)  : i32 {
      %mul3A_32 = arith.constant 5 : i32
      %mul3A_33 = arith.muli %scan3A_30, %mul3A_32 : i32
      %add3A_34 = arith.constant 0 : i32
      %add3A_35 = arith.addi %mul3A_33, %add3A_34 : i32
      %mul3A_36 = arith.constant 16 : i32
      %mul3A_37 = arith.muli %add3A_35, %mul3A_36 : i32
      %get3A = arith.index_cast %mul3A_37 : i32 to index
      %get3A_38 = tpu.vector_load %arg8[%get3A] {strides = array<i32>} : memref<10000xi32, #tpu.memory_space<vmem>>, vector<16xi32>,
      %get3A_39 = arith.index_cast %mul3A_37 : i32 to index
      %get3A_40 = tpu.vector_load %arg9[%get3A_39] {strides = array<i32>} : memref<10000xf32, #tpu.memory_space<vmem>>, vector<16xf32>,
      %get3A_41 = arith.index_cast %mul3A_37 : i32 to index
      %get3A_42 = tpu.vector_load %arg6[%get3A_41] {strides = array<i32>} : memref<10000xf32, #tpu.memory_space<vmem>>, vector<16xf32>,
      %mul3A_43 = arith.mulf %get3A_40, %get3A_42 : vector<16xf32>
      %get3A_44 = arith.index_cast %mul3A_37 : i32 to index
      %get3A_45 = tpu.vector_load %arg7[%get3A_44] {strides = array<i32>} : memref<10000xf32, #tpu.memory_space<vmem>>, vector<16xf32>,
      %mul3A_46 = arith.mulf %get3A_40, %get3A_45 : vector<16xf32>
      %broadcast_in_dim3A = arith.constant true
      %broadcast_in_dim3A_47 = vector.broadcast %broadcast_in_dim3A : i1 to vector<16xi1>
      %unique3A, %unique3A_48 = tpu.scan_count mask(%broadcast_in_dim3A_47 : vector<16xi1>) value(%get3A_38 : vector<16xi32>) : vector<16xi1>, vector<16xi32>
      %eq3A = arith.constant 1 : i32
      %eq3A_49 = vector.broadcast %eq3A : i32 to vector<16xi32>
      %eq3A_50 = arith.cmpi eq, %unique3A_48, %eq3A_49 : vector<16xi32>
      tpu.vector_store_idx %arg10[%get3A_38], %get3A_40 masked %eq3A_50 {add = true} : memref<30000xf32, #tpu.memory_space<vmem>>[vector<16xi32>], vector<16xf32>, vector<16xi1>
      %add3A_51 = arith.constant 10000 : i32
      %add3A_52 = vector.broadcast %add3A_51 : i32 to vector<16xi32>
      %add3A_53 = arith.addi %get3A_38, %add3A_52 : vector<16xi32>
      tpu.vector_store_idx %arg10[%add3A_53], %mul3A_43 masked %eq3A_50 {add = true} : memref<30000xf32, #tpu.memory_space<vmem>>[vector<16xi32>], vector<16xf32>, vector<16xi1>
      %add3A_54 = arith.constant 20000 : i32
      %add3A_55 = vector.broadcast %add3A_54 : i32 to vector<16xi32>
      %add3A_56 = arith.addi %get3A_38, %add3A_55 : vector<16xi32>
      tpu.vector_store_idx %arg10[%add3A_56], %mul3A_46 masked %eq3A_50 {add = true} : memref<30000xf32, #tpu.memory_space<vmem>>[vector<16xi32>], vector<16xf32>, vector<16xi1>
      %ne3A = arith.constant 1 : i32
      %ne3A_57 = vector.broadcast %ne3A : i32 to vector<16xi32>
      %ne3A_58 = arith.cmpi ne, %unique3A_48, %ne3A_57 : vector<16xi32>
      %reduce_or3A = arith.constant 1.000000e+00 : f32
      %reduce_or3A_59 = arith.constant 0.000000e+00 : f32
      %reduce_or3A_60 = vector.broadcast %reduce_or3A : f32 to vector<16xf32>
      %reduce_or3A_61 = vector.broadcast %reduce_or3A_59 : f32 to vector<16xf32>
      %reduce_or3A_62 = arith.select %ne3A_58, %reduce_or3A_60, %reduce_or3A_61 : vector<16xi1>, vector<16xf32>
      %reduce_or3A_63 = arith.constant true
      %reduce_or3A_64 = vector.broadcast %reduce_or3A_63 : i1 to vector<16xi1>
      %reduce_or3A_65 = tpu.scan <max>, %reduce_or3A_62 masked %reduce_or3A_64 : vector<16xf32>, vector<16xi1> -> vector<16xf32>
      %reduce_or3A_66 = vector.extract %reduce_or3A_65[15] : f32 from vector<16xf32>
      %reduce_or3A_67 = arith.constant 0.000000e+00 : f32
      %reduce_or3A_68 = arith.cmpf ogt, %reduce_or3A_66, %reduce_or3A_67 : f32
      %convert_element_type3A = arith.extui %reduce_or3A_68 : i1 to i32
      %cond3A = arith.constant 0 : i32
      %cond3A_69 = arith.cmpi ne, %convert_element_type3A, %cond3A : i32
      scf.if %cond3A_69 {
        %scan3A_255 = arith.constant 0 : i32
        %scan3A_256 = arith.constant 1 : i32
        %scan3A_257 = arith.constant 15 : i32
        %scan3A_258 = arith.addi %scan3A_256, %scan3A_257 : i32
        %scan3A_259 = arith.constant 1 : i32
        %scan3A_260 = scf.for %scan3A_262 = %scan3A_256 to %scan3A_258 step %scan3A_259 iter_args(%scan3A_263 = %scan3A_255) -> (i32)  : i32 {
          %add3A_264 = arith.constant 1 : i32
          %add3A_265 = arith.addi %add3A_264, %scan3A_262 : i32
          %eq3A_266 = vector.broadcast %add3A_265 : i32 to vector<16xi32>
          %eq3A_267 = arith.cmpi eq, %unique3A_48, %eq3A_266 : vector<16xi32>
          tpu.vector_store_idx %arg10[%get3A_38], %get3A_40 masked %eq3A_267 {add = true} : memref<30000xf32, #tpu.memory_space<vmem>>[vector<16xi32>], vector<16xf32>, vector<16xi1>
          %add3A_268 = arith.constant 10000 : i32
          %add3A_269 = vector.broadcast %add3A_268 : i32 to vector<16xi32>
          %add3A_270 = arith.addi %get3A_38, %add3A_269 : vector<16xi32>
          tpu.vector_store_idx %arg10[%add3A_270], %mul3A_43 masked %eq3A_267 {add = true} : memref<30000xf32, #tpu.memory_space<vmem>>[vector<16xi32>], vector<16xf32>, vector<16xi1>
          %add3A_271 = arith.constant 20000 : i32
          %add3A_272 = vector.broadcast %add3A_271 : i32 to vector<16xi32>
          %add3A_273 = arith.addi %get3A_38, %add3A_272 : vector<16xi32>
          tpu.vector_store_idx %arg10[%add3A_273], %mul3A_46 masked %eq3A_267 {add = true} : memref<30000xf32, #tpu.memory_space<vmem>>[vector<16xi32>], vector<16xf32>, vector<16xi1>
          %scan3A_274 = arith.constant 0 : i32
          scf.yield %scan3A_274 : i32
        }
        %scan3A_261 = arith.constant 15 : i32
      } else {
      }
      %mul3A_70 = arith.constant 5 : i32
      %mul3A_71 = arith.muli %scan3A_30, %mul3A_70 : i32
      %add3A_72 = arith.constant 1 : i32
      %add3A_73 = arith.addi %mul3A_71, %add3A_72 : i32
      %mul3A_74 = arith.constant 16 : i32
      %mul3A_75 = arith.muli %add3A_73, %mul3A_74 : i32
      %get3A_76 = arith.index_cast %mul3A_75 : i32 to index
      %get3A_77 = tpu.vector_load %arg8[%get3A_76] {strides = array<i32>} : memref<10000xi32, #tpu.memory_space<vmem>>, vector<16xi32>,
      %get3A_78 = arith.index_cast %mul3A_75 : i32 to index
      %get3A_79 = tpu.vector_load %arg9[%get3A_78] {strides = array<i32>} : memref<10000xf32, #tpu.memory_space<vmem>>, vector<16xf32>,
      %get3A_80 = arith.index_cast %mul3A_75 : i32 to index
      %get3A_81 = tpu.vector_load %arg6[%get3A_80] {strides = array<i32>} : memref<10000xf32, #tpu.memory_space<vmem>>, vector<16xf32>,
      %mul3A_82 = arith.mulf %get3A_79, %get3A_81 : vector<16xf32>
      %get3A_83 = arith.index_cast %mul3A_75 : i32 to index
      %get3A_84 = tpu.vector_load %arg7[%get3A_83] {strides = array<i32>} : memref<10000xf32, #tpu.memory_space<vmem>>, vector<16xf32>,
      %mul3A_85 = arith.mulf %get3A_79, %get3A_84 : vector<16xf32>
      %broadcast_in_dim3A_86 = arith.constant true
      %broadcast_in_dim3A_87 = vector.broadcast %broadcast_in_dim3A_86 : i1 to vector<16xi1>
      %unique3A_88, %unique3A_89 = tpu.scan_count mask(%broadcast_in_dim3A_87 : vector<16xi1>) value(%get3A_77 : vector<16xi32>) : vector<16xi1>, vector<16xi32>
      %eq3A_90 = arith.constant 1 : i32
      %eq3A_91 = vector.broadcast %eq3A_90 : i32 to vector<16xi32>
      %eq3A_92 = arith.cmpi eq, %unique3A_89, %eq3A_91 : vector<16xi32>
      tpu.vector_store_idx %arg10[%get3A_77], %get3A_79 masked %eq3A_92 {add = true} : memref<30000xf32, #tpu.memory_space<vmem>>[vector<16xi32>], vector<16xf32>, vector<16xi1>
      %add3A_93 = arith.constant 10000 : i32
      %add3A_94 = vector.broadcast %add3A_93 : i32 to vector<16xi32>
      %add3A_95 = arith.addi %get3A_77, %add3A_94 : vector<16xi32>
      tpu.vector_store_idx %arg10[%add3A_95], %mul3A_82 masked %eq3A_92 {add = true} : memref<30000xf32, #tpu.memory_space<vmem>>[vector<16xi32>], vector<16xf32>, vector<16xi1>
      %add3A_96 = arith.constant 20000 : i32
      %add3A_97 = vector.broadcast %add3A_96 : i32 to vector<16xi32>
      %add3A_98 = arith.addi %get3A_77, %add3A_97 : vector<16xi32>
      tpu.vector_store_idx %arg10[%add3A_98], %mul3A_85 masked %eq3A_92 {add = true} : memref<30000xf32, #tpu.memory_space<vmem>>[vector<16xi32>], vector<16xf32>, vector<16xi1>
      %ne3A_99 = arith.constant 1 : i32
      %ne3A_100 = vector.broadcast %ne3A_99 : i32 to vector<16xi32>
      %ne3A_101 = arith.cmpi ne, %unique3A_89, %ne3A_100 : vector<16xi32>
      %reduce_or3A_102 = arith.constant 1.000000e+00 : f32
      %reduce_or3A_103 = arith.constant 0.000000e+00 : f32
      %reduce_or3A_104 = vector.broadcast %reduce_or3A_102 : f32 to vector<16xf32>
      %reduce_or3A_105 = vector.broadcast %reduce_or3A_103 : f32 to vector<16xf32>
      %reduce_or3A_106 = arith.select %ne3A_101, %reduce_or3A_104, %reduce_or3A_105 : vector<16xi1>, vector<16xf32>
      %reduce_or3A_107 = arith.constant true
      %reduce_or3A_108 = vector.broadcast %reduce_or3A_107 : i1 to vector<16xi1>
      %reduce_or3A_109 = tpu.scan <max>, %reduce_or3A_106 masked %reduce_or3A_108 : vector<16xf32>, vector<16xi1> -> vector<16xf32>
      %reduce_or3A_110 = vector.extract %reduce_or3A_109[15] : f32 from vector<16xf32>
      %reduce_or3A_111 = arith.constant 0.000000e+00 : f32
      %reduce_or3A_112 = arith.cmpf ogt, %reduce_or3A_110, %reduce_or3A_111 : f32
      %convert_element_type3A_113 = arith.extui %reduce_or3A_112 : i1 to i32
      %cond3A_114 = arith.constant 0 : i32
      %cond3A_115 = arith.cmpi ne, %convert_element_type3A_113, %cond3A_114 : i32
      scf.if %cond3A_115 {
        %scan3A_255 = arith.constant 0 : i32
        %scan3A_256 = arith.constant 1 : i32
        %scan3A_257 = arith.constant 15 : i32
        %scan3A_258 = arith.addi %scan3A_256, %scan3A_257 : i32
        %scan3A_259 = arith.constant 1 : i32
        %scan3A_260 = scf.for %scan3A_262 = %scan3A_256 to %scan3A_258 step %scan3A_259 iter_args(%scan3A_263 = %scan3A_255) -> (i32)  : i32 {
          %add3A_264 = arith.constant 1 : i32
          %add3A_265 = arith.addi %add3A_264, %scan3A_262 : i32
          %eq3A_266 = vector.broadcast %add3A_265 : i32 to vector<16xi32>
          %eq3A_267 = arith.cmpi eq, %unique3A_89, %eq3A_266 : vector<16xi32>
          tpu.vector_store_idx %arg10[%get3A_77], %get3A_79 masked %eq3A_267 {add = true} : memref<30000xf32, #tpu.memory_space<vmem>>[vector<16xi32>], vector<16xf32>, vector<16xi1>
          %add3A_268 = arith.constant 10000 : i32
          %add3A_269 = vector.broadcast %add3A_268 : i32 to vector<16xi32>
          %add3A_270 = arith.addi %get3A_77, %add3A_269 : vector<16xi32>
          tpu.vector_store_idx %arg10[%add3A_270], %mul3A_82 masked %eq3A_267 {add = true} : memref<30000xf32, #tpu.memory_space<vmem>>[vector<16xi32>], vector<16xf32>, vector<16xi1>
          %add3A_271 = arith.constant 20000 : i32
          %add3A_272 = vector.broadcast %add3A_271 : i32 to vector<16xi32>
          %add3A_273 = arith.addi %get3A_77, %add3A_272 : vector<16xi32>
          tpu.vector_store_idx %arg10[%add3A_273], %mul3A_85 masked %eq3A_267 {add = true} : memref<30000xf32, #tpu.memory_space<vmem>>[vector<16xi32>], vector<16xf32>, vector<16xi1>
          %scan3A_274 = arith.constant 0 : i32
          scf.yield %scan3A_274 : i32
        }
        %scan3A_261 = arith.constant 15 : i32
      } else {
      }
      %mul3A_116 = arith.constant 5 : i32
      %mul3A_117 = arith.muli %scan3A_30, %mul3A_116 : i32
      %add3A_118 = arith.constant 2 : i32
      %add3A_119 = arith.addi %mul3A_117, %add3A_118 : i32
      %mul3A_120 = arith.constant 16 : i32
      %mul3A_121 = arith.muli %add3A_119, %mul3A_120 : i32
      %get3A_122 = arith.index_cast %mul3A_121 : i32 to index
      %get3A_123 = tpu.vector_load %arg8[%get3A_122] {strides = array<i32>} : memref<10000xi32, #tpu.memory_space<vmem>>, vector<16xi32>,
      %get3A_124 = arith.index_cast %mul3A_121 : i32 to index
      %get3A_125 = tpu.vector_load %arg9[%get3A_124] {strides = array<i32>} : memref<10000xf32, #tpu.memory_space<vmem>>, vector<16xf32>,
      %get3A_126 = arith.index_cast %mul3A_121 : i32 to index
      %get3A_127 = tpu.vector_load %arg6[%get3A_126] {strides = array<i32>} : memref<10000xf32, #tpu.memory_space<vmem>>, vector<16xf32>,
      %mul3A_128 = arith.mulf %get3A_125, %get3A_127 : vector<16xf32>
      %get3A_129 = arith.index_cast %mul3A_121 : i32 to index
      %get3A_130 = tpu.vector_load %arg7[%get3A_129] {strides = array<i32>} : memref<10000xf32, #tpu.memory_space<vmem>>, vector<16xf32>,
      %mul3A_131 = arith.mulf %get3A_125, %get3A_130 : vector<16xf32>
      %broadcast_in_dim3A_132 = arith.constant true
      %broadcast_in_dim3A_133 = vector.broadcast %broadcast_in_dim3A_132 : i1 to vector<16xi1>
      %unique3A_134, %unique3A_135 = tpu.scan_count mask(%broadcast_in_dim3A_133 : vector<16xi1>) value(%get3A_123 : vector<16xi32>) : vector<16xi1>, vector<16xi32>
      %eq3A_136 = arith.constant 1 : i32
      %eq3A_137 = vector.broadcast %eq3A_136 : i32 to vector<16xi32>
      %eq3A_138 = arith.cmpi eq, %unique3A_135, %eq3A_137 : vector<16xi32>
      tpu.vector_store_idx %arg10[%get3A_123], %get3A_125 masked %eq3A_138 {add = true} : memref<30000xf32, #tpu.memory_space<vmem>>[vector<16xi32>], vector<16xf32>, vector<16xi1>
      %add3A_139 = arith.constant 10000 : i32
      %add3A_140 = vector.broadcast %add3A_139 : i32 to vector<16xi32>
      %add3A_141 = arith.addi %get3A_123, %add3A_140 : vector<16xi32>
      tpu.vector_store_idx %arg10[%add3A_141], %mul3A_128 masked %eq3A_138 {add = true} : memref<30000xf32, #tpu.memory_space<vmem>>[vector<16xi32>], vector<16xf32>, vector<16xi1>
      %add3A_142 = arith.constant 20000 : i32
      %add3A_143 = vector.broadcast %add3A_142 : i32 to vector<16xi32>
      %add3A_144 = arith.addi %get3A_123, %add3A_143 : vector<16xi32>
      tpu.vector_store_idx %arg10[%add3A_144], %mul3A_131 masked %eq3A_138 {add = true} : memref<30000xf32, #tpu.memory_space<vmem>>[vector<16xi32>], vector<16xf32>, vector<16xi1>
      %ne3A_145 = arith.constant 1 : i32
      %ne3A_146 = vector.broadcast %ne3A_145 : i32 to vector<16xi32>
      %ne3A_147 = arith.cmpi ne, %unique3A_135, %ne3A_146 : vector<16xi32>
      %reduce_or3A_148 = arith.constant 1.000000e+00 : f32
      %reduce_or3A_149 = arith.constant 0.000000e+00 : f32
      %reduce_or3A_150 = vector.broadcast %reduce_or3A_148 : f32 to vector<16xf32>
      %reduce_or3A_151 = vector.broadcast %reduce_or3A_149 : f32 to vector<16xf32>
      %reduce_or3A_152 = arith.select %ne3A_147, %reduce_or3A_150, %reduce_or3A_151 : vector<16xi1>, vector<16xf32>
      %reduce_or3A_153 = arith.constant true
      %reduce_or3A_154 = vector.broadcast %reduce_or3A_153 : i1 to vector<16xi1>
      %reduce_or3A_155 = tpu.scan <max>, %reduce_or3A_152 masked %reduce_or3A_154 : vector<16xf32>, vector<16xi1> -> vector<16xf32>
      %reduce_or3A_156 = vector.extract %reduce_or3A_155[15] : f32 from vector<16xf32>
      %reduce_or3A_157 = arith.constant 0.000000e+00 : f32
      %reduce_or3A_158 = arith.cmpf ogt, %reduce_or3A_156, %reduce_or3A_157 : f32
      %convert_element_type3A_159 = arith.extui %reduce_or3A_158 : i1 to i32
      %cond3A_160 = arith.constant 0 : i32
      %cond3A_161 = arith.cmpi ne, %convert_element_type3A_159, %cond3A_160 : i32
      scf.if %cond3A_161 {
        %scan3A_255 = arith.constant 0 : i32
        %scan3A_256 = arith.constant 1 : i32
        %scan3A_257 = arith.constant 15 : i32
        %scan3A_258 = arith.addi %scan3A_256, %scan3A_257 : i32
        %scan3A_259 = arith.constant 1 : i32
        %scan3A_260 = scf.for %scan3A_262 = %scan3A_256 to %scan3A_258 step %scan3A_259 iter_args(%scan3A_263 = %scan3A_255) -> (i32)  : i32 {
          %add3A_264 = arith.constant 1 : i32
          %add3A_265 = arith.addi %add3A_264, %scan3A_262 : i32
          %eq3A_266 = vector.broadcast %add3A_265 : i32 to vector<16xi32>
          %eq3A_267 = arith.cmpi eq, %unique3A_135, %eq3A_266 : vector<16xi32>
          tpu.vector_store_idx %arg10[%get3A_123], %get3A_125 masked %eq3A_267 {add = true} : memref<30000xf32, #tpu.memory_space<vmem>>[vector<16xi32>], vector<16xf32>, vector<16xi1>
          %add3A_268 = arith.constant 10000 : i32
          %add3A_269 = vector.broadcast %add3A_268 : i32 to vector<16xi32>
          %add3A_270 = arith.addi %get3A_123, %add3A_269 : vector<16xi32>
          tpu.vector_store_idx %arg10[%add3A_270], %mul3A_128 masked %eq3A_267 {add = true} : memref<30000xf32, #tpu.memory_space<vmem>>[vector<16xi32>], vector<16xf32>, vector<16xi1>
          %add3A_271 = arith.constant 20000 : i32
          %add3A_272 = vector.broadcast %add3A_271 : i32 to vector<16xi32>
          %add3A_273 = arith.addi %get3A_123, %add3A_272 : vector<16xi32>
          tpu.vector_store_idx %arg10[%add3A_273], %mul3A_131 masked %eq3A_267 {add = true} : memref<30000xf32, #tpu.memory_space<vmem>>[vector<16xi32>], vector<16xf32>, vector<16xi1>
          %scan3A_274 = arith.constant 0 : i32
          scf.yield %scan3A_274 : i32
        }
        %scan3A_261 = arith.constant 15 : i32
      } else {
      }
      %mul3A_162 = arith.constant 5 : i32
      %mul3A_163 = arith.muli %scan3A_30, %mul3A_162 : i32
      %add3A_164 = arith.constant 3 : i32
      %add3A_165 = arith.addi %mul3A_163, %add3A_164 : i32
      %mul3A_166 = arith.constant 16 : i32
      %mul3A_167 = arith.muli %add3A_165, %mul3A_166 : i32
      %get3A_168 = arith.index_cast %mul3A_167 : i32 to index
      %get3A_169 = tpu.vector_load %arg8[%get3A_168] {strides = array<i32>} : memref<10000xi32, #tpu.memory_space<vmem>>, vector<16xi32>,
      %get3A_170 = arith.index_cast %mul3A_167 : i32 to index
      %get3A_171 = tpu.vector_load %arg9[%get3A_170] {strides = array<i32>} : memref<10000xf32, #tpu.memory_space<vmem>>, vector<16xf32>,
      %get3A_172 = arith.index_cast %mul3A_167 : i32 to index
      %get3A_173 = tpu.vector_load %arg6[%get3A_172] {strides = array<i32>} : memref<10000xf32, #tpu.memory_space<vmem>>, vector<16xf32>,
      %mul3A_174 = arith.mulf %get3A_171, %get3A_173 : vector<16xf32>
      %get3A_175 = arith.index_cast %mul3A_167 : i32 to index
      %get3A_176 = tpu.vector_load %arg7[%get3A_175] {strides = array<i32>} : memref<10000xf32, #tpu.memory_space<vmem>>, vector<16xf32>,
      %mul3A_177 = arith.mulf %get3A_171, %get3A_176 : vector<16xf32>
      %broadcast_in_dim3A_178 = arith.constant true
      %broadcast_in_dim3A_179 = vector.broadcast %broadcast_in_dim3A_178 : i1 to vector<16xi1>
      %unique3A_180, %unique3A_181 = tpu.scan_count mask(%broadcast_in_dim3A_179 : vector<16xi1>) value(%get3A_169 : vector<16xi32>) : vector<16xi1>, vector<16xi32>
      %eq3A_182 = arith.constant 1 : i32
      %eq3A_183 = vector.broadcast %eq3A_182 : i32 to vector<16xi32>
      %eq3A_184 = arith.cmpi eq, %unique3A_181, %eq3A_183 : vector<16xi32>
      tpu.vector_store_idx %arg10[%get3A_169], %get3A_171 masked %eq3A_184 {add = true} : memref<30000xf32, #tpu.memory_space<vmem>>[vector<16xi32>], vector<16xf32>, vector<16xi1>
      %add3A_185 = arith.constant 10000 : i32
      %add3A_186 = vector.broadcast %add3A_185 : i32 to vector<16xi32>
      %add3A_187 = arith.addi %get3A_169, %add3A_186 : vector<16xi32>
      tpu.vector_store_idx %arg10[%add3A_187], %mul3A_174 masked %eq3A_184 {add = true} : memref<30000xf32, #tpu.memory_space<vmem>>[vector<16xi32>], vector<16xf32>, vector<16xi1>
      %add3A_188 = arith.constant 20000 : i32
      %add3A_189 = vector.broadcast %add3A_188 : i32 to vector<16xi32>
      %add3A_190 = arith.addi %get3A_169, %add3A_189 : vector<16xi32>
      tpu.vector_store_idx %arg10[%add3A_190], %mul3A_177 masked %eq3A_184 {add = true} : memref<30000xf32, #tpu.memory_space<vmem>>[vector<16xi32>], vector<16xf32>, vector<16xi1>
      %ne3A_191 = arith.constant 1 : i32
      %ne3A_192 = vector.broadcast %ne3A_191 : i32 to vector<16xi32>
      %ne3A_193 = arith.cmpi ne, %unique3A_181, %ne3A_192 : vector<16xi32>
      %reduce_or3A_194 = arith.constant 1.000000e+00 : f32
      %reduce_or3A_195 = arith.constant 0.000000e+00 : f32
      %reduce_or3A_196 = vector.broadcast %reduce_or3A_194 : f32 to vector<16xf32>
      %reduce_or3A_197 = vector.broadcast %reduce_or3A_195 : f32 to vector<16xf32>
      %reduce_or3A_198 = arith.select %ne3A_193, %reduce_or3A_196, %reduce_or3A_197 : vector<16xi1>, vector<16xf32>
      %reduce_or3A_199 = arith.constant true
      %reduce_or3A_200 = vector.broadcast %reduce_or3A_199 : i1 to vector<16xi1>
      %reduce_or3A_201 = tpu.scan <max>, %reduce_or3A_198 masked %reduce_or3A_200 : vector<16xf32>, vector<16xi1> -> vector<16xf32>
      %reduce_or3A_202 = vector.extract %reduce_or3A_201[15] : f32 from vector<16xf32>
      %reduce_or3A_203 = arith.constant 0.000000e+00 : f32
      %reduce_or3A_204 = arith.cmpf ogt, %reduce_or3A_202, %reduce_or3A_203 : f32
      %convert_element_type3A_205 = arith.extui %reduce_or3A_204 : i1 to i32
      %cond3A_206 = arith.constant 0 : i32
      %cond3A_207 = arith.cmpi ne, %convert_element_type3A_205, %cond3A_206 : i32
      scf.if %cond3A_207 {
        %scan3A_255 = arith.constant 0 : i32
        %scan3A_256 = arith.constant 1 : i32
        %scan3A_257 = arith.constant 15 : i32
        %scan3A_258 = arith.addi %scan3A_256, %scan3A_257 : i32
        %scan3A_259 = arith.constant 1 : i32
        %scan3A_260 = scf.for %scan3A_262 = %scan3A_256 to %scan3A_258 step %scan3A_259 iter_args(%scan3A_263 = %scan3A_255) -> (i32)  : i32 {
          %add3A_264 = arith.constant 1 : i32
          %add3A_265 = arith.addi %add3A_264, %scan3A_262 : i32
          %eq3A_266 = vector.broadcast %add3A_265 : i32 to vector<16xi32>
          %eq3A_267 = arith.cmpi eq, %unique3A_181, %eq3A_266 : vector<16xi32>
          tpu.vector_store_idx %arg10[%get3A_169], %get3A_171 masked %eq3A_267 {add = true} : memref<30000xf32, #tpu.memory_space<vmem>>[vector<16xi32>], vector<16xf32>, vector<16xi1>
          %add3A_268 = arith.constant 10000 : i32
          %add3A_269 = vector.broadcast %add3A_268 : i32 to vector<16xi32>
          %add3A_270 = arith.addi %get3A_169, %add3A_269 : vector<16xi32>
          tpu.vector_store_idx %arg10[%add3A_270], %mul3A_174 masked %eq3A_267 {add = true} : memref<30000xf32, #tpu.memory_space<vmem>>[vector<16xi32>], vector<16xf32>, vector<16xi1>
          %add3A_271 = arith.constant 20000 : i32
          %add3A_272 = vector.broadcast %add3A_271 : i32 to vector<16xi32>
          %add3A_273 = arith.addi %get3A_169, %add3A_272 : vector<16xi32>
          tpu.vector_store_idx %arg10[%add3A_273], %mul3A_177 masked %eq3A_267 {add = true} : memref<30000xf32, #tpu.memory_space<vmem>>[vector<16xi32>], vector<16xf32>, vector<16xi1>
          %scan3A_274 = arith.constant 0 : i32
          scf.yield %scan3A_274 : i32
        }
        %scan3A_261 = arith.constant 15 : i32
      } else {
      }
      %mul3A_208 = arith.constant 5 : i32
      %mul3A_209 = arith.muli %scan3A_30, %mul3A_208 : i32
      %add3A_210 = arith.constant 4 : i32
      %add3A_211 = arith.addi %mul3A_209, %add3A_210 : i32
      %mul3A_212 = arith.constant 16 : i32
      %mul3A_213 = arith.muli %add3A_211, %mul3A_212 : i32
      %get3A_214 = arith.index_cast %mul3A_213 : i32 to index
      %get3A_215 = tpu.vector_load %arg8[%get3A_214] {strides = array<i32>} : memref<10000xi32, #tpu.memory_space<vmem>>, vector<16xi32>,
      %get3A_216 = arith.index_cast %mul3A_213 : i32 to index
      %get3A_217 = tpu.vector_load %arg9[%get3A_216] {strides = array<i32>} : memref<10000xf32, #tpu.memory_space<vmem>>, vector<16xf32>,
      %get3A_218 = arith.index_cast %mul3A_213 : i32 to index
      %get3A_219 = tpu.vector_load %arg6[%get3A_218] {strides = array<i32>} : memref<10000xf32, #tpu.memory_space<vmem>>, vector<16xf32>,
      %mul3A_220 = arith.mulf %get3A_217, %get3A_219 : vector<16xf32>
      %get3A_221 = arith.index_cast %mul3A_213 : i32 to index
      %get3A_222 = tpu.vector_load %arg7[%get3A_221] {strides = array<i32>} : memref<10000xf32, #tpu.memory_space<vmem>>, vector<16xf32>,
      %mul3A_223 = arith.mulf %get3A_217, %get3A_222 : vector<16xf32>
      %broadcast_in_dim3A_224 = arith.constant true
      %broadcast_in_dim3A_225 = vector.broadcast %broadcast_in_dim3A_224 : i1 to vector<16xi1>
      %unique3A_226, %unique3A_227 = tpu.scan_count mask(%broadcast_in_dim3A_225 : vector<16xi1>) value(%get3A_215 : vector<16xi32>) : vector<16xi1>, vector<16xi32>
      %eq3A_228 = arith.constant 1 : i32
      %eq3A_229 = vector.broadcast %eq3A_228 : i32 to vector<16xi32>
      %eq3A_230 = arith.cmpi eq, %unique3A_227, %eq3A_229 : vector<16xi32>
      tpu.vector_store_idx %arg10[%get3A_215], %get3A_217 masked %eq3A_230 {add = true} : memref<30000xf32, #tpu.memory_space<vmem>>[vector<16xi32>], vector<16xf32>, vector<16xi1>
      %add3A_231 = arith.constant 10000 : i32
      %add3A_232 = vector.broadcast %add3A_231 : i32 to vector<16xi32>
      %add3A_233 = arith.addi %get3A_215, %add3A_232 : vector<16xi32>
      tpu.vector_store_idx %arg10[%add3A_233], %mul3A_220 masked %eq3A_230 {add = true} : memref<30000xf32, #tpu.memory_space<vmem>>[vector<16xi32>], vector<16xf32>, vector<16xi1>
      %add3A_234 = arith.constant 20000 : i32
      %add3A_235 = vector.broadcast %add3A_234 : i32 to vector<16xi32>
      %add3A_236 = arith.addi %get3A_215, %add3A_235 : vector<16xi32>
      tpu.vector_store_idx %arg10[%add3A_236], %mul3A_223 masked %eq3A_230 {add = true} : memref<30000xf32, #tpu.memory_space<vmem>>[vector<16xi32>], vector<16xf32>, vector<16xi1>
      %ne3A_237 = arith.constant 1 : i32
      %ne3A_238 = vector.broadcast %ne3A_237 : i32 to vector<16xi32>
      %ne3A_239 = arith.cmpi ne, %unique3A_227, %ne3A_238 : vector<16xi32>
      %reduce_or3A_240 = arith.constant 1.000000e+00 : f32
      %reduce_or3A_241 = arith.constant 0.000000e+00 : f32
      %reduce_or3A_242 = vector.broadcast %reduce_or3A_240 : f32 to vector<16xf32>
      %reduce_or3A_243 = vector.broadcast %reduce_or3A_241 : f32 to vector<16xf32>
      %reduce_or3A_244 = arith.select %ne3A_239, %reduce_or3A_242, %reduce_or3A_243 : vector<16xi1>, vector<16xf32>
      %reduce_or3A_245 = arith.constant true
      %reduce_or3A_246 = vector.broadcast %reduce_or3A_245 : i1 to vector<16xi1>
      %reduce_or3A_247 = tpu.scan <max>, %reduce_or3A_244 masked %reduce_or3A_246 : vector<16xf32>, vector<16xi1> -> vector<16xf32>
      %reduce_or3A_248 = vector.extract %reduce_or3A_247[15] : f32 from vector<16xf32>
      %reduce_or3A_249 = arith.constant 0.000000e+00 : f32
      %reduce_or3A_250 = arith.cmpf ogt, %reduce_or3A_248, %reduce_or3A_249 : f32
      %convert_element_type3A_251 = arith.extui %reduce_or3A_250 : i1 to i32
      %cond3A_252 = arith.constant 0 : i32
      %cond3A_253 = arith.cmpi ne, %convert_element_type3A_251, %cond3A_252 : i32
      scf.if %cond3A_253 {
        %scan3A_255 = arith.constant 0 : i32
        %scan3A_256 = arith.constant 1 : i32
        %scan3A_257 = arith.constant 15 : i32
        %scan3A_258 = arith.addi %scan3A_256, %scan3A_257 : i32
        %scan3A_259 = arith.constant 1 : i32
        %scan3A_260 = scf.for %scan3A_262 = %scan3A_256 to %scan3A_258 step %scan3A_259 iter_args(%scan3A_263 = %scan3A_255) -> (i32)  : i32 {
          %add3A_264 = arith.constant 1 : i32
          %add3A_265 = arith.addi %add3A_264, %scan3A_262 : i32
          %eq3A_266 = vector.broadcast %add3A_265 : i32 to vector<16xi32>
          %eq3A_267 = arith.cmpi eq, %unique3A_227, %eq3A_266 : vector<16xi32>
          tpu.vector_store_idx %arg10[%get3A_215], %get3A_217 masked %eq3A_267 {add = true} : memref<30000xf32, #tpu.memory_space<vmem>>[vector<16xi32>], vector<16xf32>, vector<16xi1>
          %add3A_268 = arith.constant 10000 : i32
          %add3A_269 = vector.broadcast %add3A_268 : i32 to vector<16xi32>
          %add3A_270 = arith.addi %get3A_215, %add3A_269 : vector<16xi32>
          tpu.vector_store_idx %arg10[%add3A_270], %mul3A_220 masked %eq3A_267 {add = true} : memref<30000xf32, #tpu.memory_space<vmem>>[vector<16xi32>], vector<16xf32>, vector<16xi1>
          %add3A_271 = arith.constant 20000 : i32
          %add3A_272 = vector.broadcast %add3A_271 : i32 to vector<16xi32>
          %add3A_273 = arith.addi %get3A_215, %add3A_272 : vector<16xi32>
          tpu.vector_store_idx %arg10[%add3A_273], %mul3A_223 masked %eq3A_267 {add = true} : memref<30000xf32, #tpu.memory_space<vmem>>[vector<16xi32>], vector<16xf32>, vector<16xi1>
          %scan3A_274 = arith.constant 0 : i32
          scf.yield %scan3A_274 : i32
        }
        %scan3A_261 = arith.constant 15 : i32
      } else {
      }
      %scan3A_254 = arith.constant 0 : i32
      scf.yield %scan3A_254 : i32
    }
    %scan3A_17 = arith.constant 125 : i32
    %add3A_18 = arith.constant 0 : i32
    %add3A_19 = arith.addi %add3A_18, %add3A : i32
    %mul3A_20 = arith.constant 10000 : i32
    %mul3A_21 = arith.muli %add3A_19, %mul3A_20 : i32
    "tpu.region"() ({
      %run_scoped3A = tpu.sem_alloc : memref<!tpu.dma_semaphore, #tpu.memory_space<semaphore_mem>>
      %dma_start3A = arith.constant 0 : i32
      %dma_start3A_30 = tpu.memref_slice %arg10[%dma_start3A] : memref<30000xf32, #tpu.memory_space<vmem>> -> memref<10000xf32, #tpu.memory_space<vmem>>
      %dma_start3A_31 = tpu.memref_slice %arg5[%mul3A_21] : memref<960000xf32, #tpu.memory_space<hbm>> -> memref<10000xf32, #tpu.memory_space<hbm>>
      %dma_start3A_32 = tpu.memref_slice %arg5[%mul3A_21] : memref<960000xf32, #tpu.memory_space<hbm>> -> memref<10000xf32, #tpu.memory_space<hbm>>
      %dma_start3A_33 = arith.constant 0 : i32
      %dma_start3A_34 = tpu.memref_slice %arg10[%dma_start3A_33] : memref<30000xf32, #tpu.memory_space<vmem>> -> memref<10000xf32, #tpu.memory_space<vmem>>
      tpu.enqueue_dma source(%dma_start3A_34 : memref<10000xf32, #tpu.memory_space<vmem>>) target(%dma_start3A_32 : memref<10000xf32, #tpu.memory_space<hbm>>) target_semaphore(%run_scoped3A : memref<!tpu.dma_semaphore, #tpu.memory_space<semaphore_mem>>)
      %dma_wait3A = arith.constant 0 : i32
      %dma_wait3A_35 = tpu.memref_slice %arg10[%dma_wait3A] : memref<30000xf32, #tpu.memory_space<vmem>> -> memref<10000xf32, #tpu.memory_space<vmem>>
      %dma_wait3A_36 = tpu.memref_slice %arg5[%mul3A_21] : memref<960000xf32, #tpu.memory_space<hbm>> -> memref<10000xf32, #tpu.memory_space<hbm>>
      %dma_wait3A_37 = tpu.memref_slice %arg5[%mul3A_21] : memref<960000xf32, #tpu.memory_space<hbm>> -> memref<10000xf32, #tpu.memory_space<hbm>>
      %dma_wait3A_38 = arith.constant 0 : i32
      %dma_wait3A_39 = tpu.memref_slice %arg10[%dma_wait3A_38] : memref<30000xf32, #tpu.memory_space<vmem>> -> memref<10000xf32, #tpu.memory_space<vmem>>
      tpu.wait_dma2 semaphore(%run_scoped3A : memref<!tpu.dma_semaphore, #tpu.memory_space<semaphore_mem>>) src(%dma_wait3A_39 : memref<10000xf32, #tpu.memory_space<vmem>>) dst(%dma_wait3A_37 : memref<10000xf32, #tpu.memory_space<hbm>>)
      tpu.yield
    }) : () -> ()
    %add3A_22 = arith.constant 32 : i32
    %add3A_23 = arith.addi %add3A_22, %add3A : i32
    %mul3A_24 = arith.constant 10000 : i32
    %mul3A_25 = arith.muli %add3A_23, %mul3A_24 : i32
    "tpu.region"() ({
      %run_scoped3A = tpu.sem_alloc : memref<!tpu.dma_semaphore, #tpu.memory_space<semaphore_mem>>
      %dma_start3A = arith.constant 10000 : i32
      %dma_start3A_30 = tpu.memref_slice %arg10[%dma_start3A] : memref<30000xf32, #tpu.memory_space<vmem>> -> memref<10000xf32, #tpu.memory_space<vmem>>
      %dma_start3A_31 = tpu.memref_slice %arg5[%mul3A_25] : memref<960000xf32, #tpu.memory_space<hbm>> -> memref<10000xf32, #tpu.memory_space<hbm>>
      %dma_start3A_32 = tpu.memref_slice %arg5[%mul3A_25] : memref<960000xf32, #tpu.memory_space<hbm>> -> memref<10000xf32, #tpu.memory_space<hbm>>
      %dma_start3A_33 = arith.constant 10000 : i32
      %dma_start3A_34 = tpu.memref_slice %arg10[%dma_start3A_33] : memref<30000xf32, #tpu.memory_space<vmem>> -> memref<10000xf32, #tpu.memory_space<vmem>>
      tpu.enqueue_dma source(%dma_start3A_34 : memref<10000xf32, #tpu.memory_space<vmem>>) target(%dma_start3A_32 : memref<10000xf32, #tpu.memory_space<hbm>>) target_semaphore(%run_scoped3A : memref<!tpu.dma_semaphore, #tpu.memory_space<semaphore_mem>>)
      %dma_wait3A = arith.constant 10000 : i32
      %dma_wait3A_35 = tpu.memref_slice %arg10[%dma_wait3A] : memref<30000xf32, #tpu.memory_space<vmem>> -> memref<10000xf32, #tpu.memory_space<vmem>>
      %dma_wait3A_36 = tpu.memref_slice %arg5[%mul3A_25] : memref<960000xf32, #tpu.memory_space<hbm>> -> memref<10000xf32, #tpu.memory_space<hbm>>
      %dma_wait3A_37 = tpu.memref_slice %arg5[%mul3A_25] : memref<960000xf32, #tpu.memory_space<hbm>> -> memref<10000xf32, #tpu.memory_space<hbm>>
      %dma_wait3A_38 = arith.constant 10000 : i32
      %dma_wait3A_39 = tpu.memref_slice %arg10[%dma_wait3A_38] : memref<30000xf32, #tpu.memory_space<vmem>> -> memref<10000xf32, #tpu.memory_space<vmem>>
      tpu.wait_dma2 semaphore(%run_scoped3A : memref<!tpu.dma_semaphore, #tpu.memory_space<semaphore_mem>>) src(%dma_wait3A_39 : memref<10000xf32, #tpu.memory_space<vmem>>) dst(%dma_wait3A_37 : memref<10000xf32, #tpu.memory_space<hbm>>)
      tpu.yield
    }) : () -> ()
    %add3A_26 = arith.constant 64 : i32
    %add3A_27 = arith.addi %add3A_26, %add3A : i32
    %mul3A_28 = arith.constant 10000 : i32
    %mul3A_29 = arith.muli %add3A_27, %mul3A_28 : i32
    "tpu.region"() ({
      %run_scoped3A = tpu.sem_alloc : memref<!tpu.dma_semaphore, #tpu.memory_space<semaphore_mem>>
      %dma_start3A = arith.constant 20000 : i32
      %dma_start3A_30 = tpu.memref_slice %arg10[%dma_start3A] : memref<30000xf32, #tpu.memory_space<vmem>> -> memref<10000xf32, #tpu.memory_space<vmem>>
      %dma_start3A_31 = tpu.memref_slice %arg5[%mul3A_29] : memref<960000xf32, #tpu.memory_space<hbm>> -> memref<10000xf32, #tpu.memory_space<hbm>>
      %dma_start3A_32 = tpu.memref_slice %arg5[%mul3A_29] : memref<960000xf32, #tpu.memory_space<hbm>> -> memref<10000xf32, #tpu.memory_space<hbm>>
      %dma_start3A_33 = arith.constant 20000 : i32
      %dma_start3A_34 = tpu.memref_slice %arg10[%dma_start3A_33] : memref<30000xf32, #tpu.memory_space<vmem>> -> memref<10000xf32, #tpu.memory_space<vmem>>
      tpu.enqueue_dma source(%dma_start3A_34 : memref<10000xf32, #tpu.memory_space<vmem>>) target(%dma_start3A_32 : memref<10000xf32, #tpu.memory_space<hbm>>) target_semaphore(%run_scoped3A : memref<!tpu.dma_semaphore, #tpu.memory_space<semaphore_mem>>)
      %dma_wait3A = arith.constant 20000 : i32
      %dma_wait3A_35 = tpu.memref_slice %arg10[%dma_wait3A] : memref<30000xf32, #tpu.memory_space<vmem>> -> memref<10000xf32, #tpu.memory_space<vmem>>
      %dma_wait3A_36 = tpu.memref_slice %arg5[%mul3A_29] : memref<960000xf32, #tpu.memory_space<hbm>> -> memref<10000xf32, #tpu.memory_space<hbm>>
      %dma_wait3A_37 = tpu.memref_slice %arg5[%mul3A_29] : memref<960000xf32, #tpu.memory_space<hbm>> -> memref<10000xf32, #tpu.memory_space<hbm>>
      %dma_wait3A_38 = arith.constant 20000 : i32
      %dma_wait3A_39 = tpu.memref_slice %arg10[%dma_wait3A_38] : memref<30000xf32, #tpu.memory_space<vmem>> -> memref<10000xf32, #tpu.memory_space<vmem>>
      tpu.wait_dma2 semaphore(%run_scoped3A : memref<!tpu.dma_semaphore, #tpu.memory_space<semaphore_mem>>) src(%dma_wait3A_39 : memref<10000xf32, #tpu.memory_space<vmem>>) dst(%dma_wait3A_37 : memref<10000xf32, #tpu.memory_space<hbm>>)
      tpu.yield
    }) : () -> ()
    return
  }
}

#map = affine_map<(d0, d1) -> (0)>
module attributes {stable_mosaic.version = 14 : i64} {
  func.func @_sc_gather(%arg0: i32, %arg1: i32, %arg2: memref<20000xf32, #tpu.memory_space<hbm>>, %arg3: memref<320000xi32, #tpu.memory_space<hbm>>, %arg4: memref<320000xi32, #tpu.memory_space<hbm>>, %arg5: memref<1280000xf32, #tpu.memory_space<hbm>>, %arg6: memref<20000xf32, #tpu.memory_space<vmem>>, %arg7: memref<10000xi32, #tpu.memory_space<vmem>>, %arg8: memref<10000xi32, #tpu.memory_space<vmem>>, %arg9: memref<10000xf32, #tpu.memory_space<vmem>>, %arg10: memref<10000xf32, #tpu.memory_space<vmem>>, %arg11: memref<10000xf32, #tpu.memory_space<vmem>>, %arg12: memref<10000xf32, #tpu.memory_space<vmem>>) attributes {dimension_semantics = [#tpu.dimension_semantics<core_parallel>, #tpu.dimension_semantics<subcore_parallel>], iteration_bounds = array<i64: 2, 16>, scalar_prefetch = 0 : i64, scratch_operands = 7 : i64, tpu.core_type = #tpu.core_type<sc_vector_subcore>, window_params = [{transform_indices = #map}, {transform_indices = #map}, {transform_indices = #map}, {transform_indices = #map}]} {
    %mul3A = arith.constant 2 : i32
    %mul3A_0 = arith.muli %arg1, %mul3A : i32
    %add3A = arith.addi %mul3A_0, %arg0 : i32
    %mul3A_1 = arith.constant 10000 : i32
    %mul3A_2 = arith.muli %add3A, %mul3A_1 : i32
    "tpu.region"() ({
      %run_scoped3A = tpu.sem_alloc : memref<!tpu.dma_semaphore, #tpu.memory_space<semaphore_mem>>
      tpu.enqueue_dma source(%arg2 : memref<20000xf32, #tpu.memory_space<hbm>>) target(%arg6 : memref<20000xf32, #tpu.memory_space<vmem>>) target_semaphore(%run_scoped3A : memref<!tpu.dma_semaphore, #tpu.memory_space<semaphore_mem>>)
      tpu.wait_dma2 semaphore(%run_scoped3A : memref<!tpu.dma_semaphore, #tpu.memory_space<semaphore_mem>>) src(%arg2 : memref<20000xf32, #tpu.memory_space<hbm>>) dst(%arg6 : memref<20000xf32, #tpu.memory_space<vmem>>)
      tpu.yield
    }) : () -> ()
    "tpu.region"() ({
      %run_scoped3A = tpu.sem_alloc : memref<!tpu.dma_semaphore, #tpu.memory_space<semaphore_mem>>
      %dma_start3A = tpu.memref_slice %arg3[%mul3A_2] : memref<320000xi32, #tpu.memory_space<hbm>> -> memref<10000xi32, #tpu.memory_space<hbm>>
      %dma_start3A_17 = tpu.memref_slice %arg3[%mul3A_2] : memref<320000xi32, #tpu.memory_space<hbm>> -> memref<10000xi32, #tpu.memory_space<hbm>>
      tpu.enqueue_dma source(%dma_start3A_17 : memref<10000xi32, #tpu.memory_space<hbm>>) target(%arg7 : memref<10000xi32, #tpu.memory_space<vmem>>) target_semaphore(%run_scoped3A : memref<!tpu.dma_semaphore, #tpu.memory_space<semaphore_mem>>)
      %dma_wait3A = tpu.memref_slice %arg3[%mul3A_2] : memref<320000xi32, #tpu.memory_space<hbm>> -> memref<10000xi32, #tpu.memory_space<hbm>>
      %dma_wait3A_18 = tpu.memref_slice %arg3[%mul3A_2] : memref<320000xi32, #tpu.memory_space<hbm>> -> memref<10000xi32, #tpu.memory_space<hbm>>
      tpu.wait_dma2 semaphore(%run_scoped3A : memref<!tpu.dma_semaphore, #tpu.memory_space<semaphore_mem>>) src(%dma_wait3A_18 : memref<10000xi32, #tpu.memory_space<hbm>>) dst(%arg7 : memref<10000xi32, #tpu.memory_space<vmem>>)
      tpu.yield
    }) : () -> ()
    "tpu.region"() ({
      %run_scoped3A = tpu.sem_alloc : memref<!tpu.dma_semaphore, #tpu.memory_space<semaphore_mem>>
      %dma_start3A = tpu.memref_slice %arg4[%mul3A_2] : memref<320000xi32, #tpu.memory_space<hbm>> -> memref<10000xi32, #tpu.memory_space<hbm>>
      %dma_start3A_17 = tpu.memref_slice %arg4[%mul3A_2] : memref<320000xi32, #tpu.memory_space<hbm>> -> memref<10000xi32, #tpu.memory_space<hbm>>
      tpu.enqueue_dma source(%dma_start3A_17 : memref<10000xi32, #tpu.memory_space<hbm>>) target(%arg8 : memref<10000xi32, #tpu.memory_space<vmem>>) target_semaphore(%run_scoped3A : memref<!tpu.dma_semaphore, #tpu.memory_space<semaphore_mem>>)
      %dma_wait3A = tpu.memref_slice %arg4[%mul3A_2] : memref<320000xi32, #tpu.memory_space<hbm>> -> memref<10000xi32, #tpu.memory_space<hbm>>
      %dma_wait3A_18 = tpu.memref_slice %arg4[%mul3A_2] : memref<320000xi32, #tpu.memory_space<hbm>> -> memref<10000xi32, #tpu.memory_space<hbm>>
      tpu.wait_dma2 semaphore(%run_scoped3A : memref<!tpu.dma_semaphore, #tpu.memory_space<semaphore_mem>>) src(%dma_wait3A_18 : memref<10000xi32, #tpu.memory_space<hbm>>) dst(%arg8 : memref<10000xi32, #tpu.memory_space<vmem>>)
      tpu.yield
    }) : () -> ()
    %scan3A = arith.constant 0 : i32
    %scan3A_3 = arith.constant 0 : i32
    %scan3A_4 = arith.constant 125 : i32
    %scan3A_5 = arith.addi %scan3A_3, %scan3A_4 : i32
    %scan3A_6 = arith.constant 1 : i32
    %scan3A_7 = scf.for %scan3A_17 = %scan3A_3 to %scan3A_5 step %scan3A_6 iter_args(%scan3A_18 = %scan3A) -> (i32)  : i32 {
      %mul3A_19 = arith.constant 5 : i32
      %mul3A_20 = arith.muli %scan3A_17, %mul3A_19 : i32
      %add3A_21 = arith.constant 0 : i32
      %add3A_22 = arith.addi %mul3A_20, %add3A_21 : i32
      %mul3A_23 = arith.constant 16 : i32
      %mul3A_24 = arith.muli %add3A_22, %mul3A_23 : i32
      %get3A = arith.index_cast %mul3A_24 : i32 to index
      %get3A_25 = tpu.vector_load %arg7[%get3A] {strides = array<i32>} : memref<10000xi32, #tpu.memory_space<vmem>>, vector<16xi32>,
      %mul3A_26 = arith.constant 2 : i32
      %mul3A_27 = vector.broadcast %mul3A_26 : i32 to vector<16xi32>
      %mul3A_28 = arith.muli %get3A_25, %mul3A_27 : vector<16xi32>
      %get3A_29 = arith.index_cast %mul3A_24 : i32 to index
      %get3A_30 = tpu.vector_load %arg8[%get3A_29] {strides = array<i32>} : memref<10000xi32, #tpu.memory_space<vmem>>, vector<16xi32>,
      %mul3A_31 = arith.constant 2 : i32
      %mul3A_32 = vector.broadcast %mul3A_31 : i32 to vector<16xi32>
      %mul3A_33 = arith.muli %get3A_30, %mul3A_32 : vector<16xi32>
      %gather3A = tpu.vector_load_idx %arg6[%mul3A_28] : memref<20000xf32, #tpu.memory_space<vmem>>[vector<16xi32>], vector<16xf32>,
      %swap3A = arith.index_cast %mul3A_24 : i32 to index
      %swap3A_34 = tpu.vector_load %arg9[%swap3A] {strides = array<i32>} : memref<10000xf32, #tpu.memory_space<vmem>>, vector<16xf32>,
      tpu.vector_store %arg9[%swap3A], %gather3A {strides = array<i32>} : memref<10000xf32, #tpu.memory_space<vmem>>, vector<16xf32>,
      %add3A_35 = arith.constant 1 : i32
      %add3A_36 = vector.broadcast %add3A_35 : i32 to vector<16xi32>
      %add3A_37 = arith.addi %mul3A_28, %add3A_36 : vector<16xi32>
      %gather3A_38 = tpu.vector_load_idx %arg6[%add3A_37] : memref<20000xf32, #tpu.memory_space<vmem>>[vector<16xi32>], vector<16xf32>,
      %swap3A_39 = arith.index_cast %mul3A_24 : i32 to index
      %swap3A_40 = tpu.vector_load %arg10[%swap3A_39] {strides = array<i32>} : memref<10000xf32, #tpu.memory_space<vmem>>, vector<16xf32>,
      tpu.vector_store %arg10[%swap3A_39], %gather3A_38 {strides = array<i32>} : memref<10000xf32, #tpu.memory_space<vmem>>, vector<16xf32>,
      %gather3A_41 = tpu.vector_load_idx %arg6[%mul3A_33] : memref<20000xf32, #tpu.memory_space<vmem>>[vector<16xi32>], vector<16xf32>,
      %swap3A_42 = arith.index_cast %mul3A_24 : i32 to index
      %swap3A_43 = tpu.vector_load %arg11[%swap3A_42] {strides = array<i32>} : memref<10000xf32, #tpu.memory_space<vmem>>, vector<16xf32>,
      tpu.vector_store %arg11[%swap3A_42], %gather3A_41 {strides = array<i32>} : memref<10000xf32, #tpu.memory_space<vmem>>, vector<16xf32>,
      %add3A_44 = arith.constant 1 : i32
      %add3A_45 = vector.broadcast %add3A_44 : i32 to vector<16xi32>
      %add3A_46 = arith.addi %mul3A_33, %add3A_45 : vector<16xi32>
      %gather3A_47 = tpu.vector_load_idx %arg6[%add3A_46] : memref<20000xf32, #tpu.memory_space<vmem>>[vector<16xi32>], vector<16xf32>,
      %swap3A_48 = arith.index_cast %mul3A_24 : i32 to index
      %swap3A_49 = tpu.vector_load %arg12[%swap3A_48] {strides = array<i32>} : memref<10000xf32, #tpu.memory_space<vmem>>, vector<16xf32>,
      tpu.vector_store %arg12[%swap3A_48], %gather3A_47 {strides = array<i32>} : memref<10000xf32, #tpu.memory_space<vmem>>, vector<16xf32>,
      %mul3A_50 = arith.constant 5 : i32
      %mul3A_51 = arith.muli %scan3A_17, %mul3A_50 : i32
      %add3A_52 = arith.constant 1 : i32
      %add3A_53 = arith.addi %mul3A_51, %add3A_52 : i32
      %mul3A_54 = arith.constant 16 : i32
      %mul3A_55 = arith.muli %add3A_53, %mul3A_54 : i32
      %get3A_56 = arith.index_cast %mul3A_55 : i32 to index
      %get3A_57 = tpu.vector_load %arg7[%get3A_56] {strides = array<i32>} : memref<10000xi32, #tpu.memory_space<vmem>>, vector<16xi32>,
      %mul3A_58 = arith.constant 2 : i32
      %mul3A_59 = vector.broadcast %mul3A_58 : i32 to vector<16xi32>
      %mul3A_60 = arith.muli %get3A_57, %mul3A_59 : vector<16xi32>
      %get3A_61 = arith.index_cast %mul3A_55 : i32 to index
      %get3A_62 = tpu.vector_load %arg8[%get3A_61] {strides = array<i32>} : memref<10000xi32, #tpu.memory_space<vmem>>, vector<16xi32>,
      %mul3A_63 = arith.constant 2 : i32
      %mul3A_64 = vector.broadcast %mul3A_63 : i32 to vector<16xi32>
      %mul3A_65 = arith.muli %get3A_62, %mul3A_64 : vector<16xi32>
      %gather3A_66 = tpu.vector_load_idx %arg6[%mul3A_60] : memref<20000xf32, #tpu.memory_space<vmem>>[vector<16xi32>], vector<16xf32>,
      %swap3A_67 = arith.index_cast %mul3A_55 : i32 to index
      %swap3A_68 = tpu.vector_load %arg9[%swap3A_67] {strides = array<i32>} : memref<10000xf32, #tpu.memory_space<vmem>>, vector<16xf32>,
      tpu.vector_store %arg9[%swap3A_67], %gather3A_66 {strides = array<i32>} : memref<10000xf32, #tpu.memory_space<vmem>>, vector<16xf32>,
      %add3A_69 = arith.constant 1 : i32
      %add3A_70 = vector.broadcast %add3A_69 : i32 to vector<16xi32>
      %add3A_71 = arith.addi %mul3A_60, %add3A_70 : vector<16xi32>
      %gather3A_72 = tpu.vector_load_idx %arg6[%add3A_71] : memref<20000xf32, #tpu.memory_space<vmem>>[vector<16xi32>], vector<16xf32>,
      %swap3A_73 = arith.index_cast %mul3A_55 : i32 to index
      %swap3A_74 = tpu.vector_load %arg10[%swap3A_73] {strides = array<i32>} : memref<10000xf32, #tpu.memory_space<vmem>>, vector<16xf32>,
      tpu.vector_store %arg10[%swap3A_73], %gather3A_72 {strides = array<i32>} : memref<10000xf32, #tpu.memory_space<vmem>>, vector<16xf32>,
      %gather3A_75 = tpu.vector_load_idx %arg6[%mul3A_65] : memref<20000xf32, #tpu.memory_space<vmem>>[vector<16xi32>], vector<16xf32>,
      %swap3A_76 = arith.index_cast %mul3A_55 : i32 to index
      %swap3A_77 = tpu.vector_load %arg11[%swap3A_76] {strides = array<i32>} : memref<10000xf32, #tpu.memory_space<vmem>>, vector<16xf32>,
      tpu.vector_store %arg11[%swap3A_76], %gather3A_75 {strides = array<i32>} : memref<10000xf32, #tpu.memory_space<vmem>>, vector<16xf32>,
      %add3A_78 = arith.constant 1 : i32
      %add3A_79 = vector.broadcast %add3A_78 : i32 to vector<16xi32>
      %add3A_80 = arith.addi %mul3A_65, %add3A_79 : vector<16xi32>
      %gather3A_81 = tpu.vector_load_idx %arg6[%add3A_80] : memref<20000xf32, #tpu.memory_space<vmem>>[vector<16xi32>], vector<16xf32>,
      %swap3A_82 = arith.index_cast %mul3A_55 : i32 to index
      %swap3A_83 = tpu.vector_load %arg12[%swap3A_82] {strides = array<i32>} : memref<10000xf32, #tpu.memory_space<vmem>>, vector<16xf32>,
      tpu.vector_store %arg12[%swap3A_82], %gather3A_81 {strides = array<i32>} : memref<10000xf32, #tpu.memory_space<vmem>>, vector<16xf32>,
      %mul3A_84 = arith.constant 5 : i32
      %mul3A_85 = arith.muli %scan3A_17, %mul3A_84 : i32
      %add3A_86 = arith.constant 2 : i32
      %add3A_87 = arith.addi %mul3A_85, %add3A_86 : i32
      %mul3A_88 = arith.constant 16 : i32
      %mul3A_89 = arith.muli %add3A_87, %mul3A_88 : i32
      %get3A_90 = arith.index_cast %mul3A_89 : i32 to index
      %get3A_91 = tpu.vector_load %arg7[%get3A_90] {strides = array<i32>} : memref<10000xi32, #tpu.memory_space<vmem>>, vector<16xi32>,
      %mul3A_92 = arith.constant 2 : i32
      %mul3A_93 = vector.broadcast %mul3A_92 : i32 to vector<16xi32>
      %mul3A_94 = arith.muli %get3A_91, %mul3A_93 : vector<16xi32>
      %get3A_95 = arith.index_cast %mul3A_89 : i32 to index
      %get3A_96 = tpu.vector_load %arg8[%get3A_95] {strides = array<i32>} : memref<10000xi32, #tpu.memory_space<vmem>>, vector<16xi32>,
      %mul3A_97 = arith.constant 2 : i32
      %mul3A_98 = vector.broadcast %mul3A_97 : i32 to vector<16xi32>
      %mul3A_99 = arith.muli %get3A_96, %mul3A_98 : vector<16xi32>
      %gather3A_100 = tpu.vector_load_idx %arg6[%mul3A_94] : memref<20000xf32, #tpu.memory_space<vmem>>[vector<16xi32>], vector<16xf32>,
      %swap3A_101 = arith.index_cast %mul3A_89 : i32 to index
      %swap3A_102 = tpu.vector_load %arg9[%swap3A_101] {strides = array<i32>} : memref<10000xf32, #tpu.memory_space<vmem>>, vector<16xf32>,
      tpu.vector_store %arg9[%swap3A_101], %gather3A_100 {strides = array<i32>} : memref<10000xf32, #tpu.memory_space<vmem>>, vector<16xf32>,
      %add3A_103 = arith.constant 1 : i32
      %add3A_104 = vector.broadcast %add3A_103 : i32 to vector<16xi32>
      %add3A_105 = arith.addi %mul3A_94, %add3A_104 : vector<16xi32>
      %gather3A_106 = tpu.vector_load_idx %arg6[%add3A_105] : memref<20000xf32, #tpu.memory_space<vmem>>[vector<16xi32>], vector<16xf32>,
      %swap3A_107 = arith.index_cast %mul3A_89 : i32 to index
      %swap3A_108 = tpu.vector_load %arg10[%swap3A_107] {strides = array<i32>} : memref<10000xf32, #tpu.memory_space<vmem>>, vector<16xf32>,
      tpu.vector_store %arg10[%swap3A_107], %gather3A_106 {strides = array<i32>} : memref<10000xf32, #tpu.memory_space<vmem>>, vector<16xf32>,
      %gather3A_109 = tpu.vector_load_idx %arg6[%mul3A_99] : memref<20000xf32, #tpu.memory_space<vmem>>[vector<16xi32>], vector<16xf32>,
      %swap3A_110 = arith.index_cast %mul3A_89 : i32 to index
      %swap3A_111 = tpu.vector_load %arg11[%swap3A_110] {strides = array<i32>} : memref<10000xf32, #tpu.memory_space<vmem>>, vector<16xf32>,
      tpu.vector_store %arg11[%swap3A_110], %gather3A_109 {strides = array<i32>} : memref<10000xf32, #tpu.memory_space<vmem>>, vector<16xf32>,
      %add3A_112 = arith.constant 1 : i32
      %add3A_113 = vector.broadcast %add3A_112 : i32 to vector<16xi32>
      %add3A_114 = arith.addi %mul3A_99, %add3A_113 : vector<16xi32>
      %gather3A_115 = tpu.vector_load_idx %arg6[%add3A_114] : memref<20000xf32, #tpu.memory_space<vmem>>[vector<16xi32>], vector<16xf32>,
      %swap3A_116 = arith.index_cast %mul3A_89 : i32 to index
      %swap3A_117 = tpu.vector_load %arg12[%swap3A_116] {strides = array<i32>} : memref<10000xf32, #tpu.memory_space<vmem>>, vector<16xf32>,
      tpu.vector_store %arg12[%swap3A_116], %gather3A_115 {strides = array<i32>} : memref<10000xf32, #tpu.memory_space<vmem>>, vector<16xf32>,
      %mul3A_118 = arith.constant 5 : i32
      %mul3A_119 = arith.muli %scan3A_17, %mul3A_118 : i32
      %add3A_120 = arith.constant 3 : i32
      %add3A_121 = arith.addi %mul3A_119, %add3A_120 : i32
      %mul3A_122 = arith.constant 16 : i32
      %mul3A_123 = arith.muli %add3A_121, %mul3A_122 : i32
      %get3A_124 = arith.index_cast %mul3A_123 : i32 to index
      %get3A_125 = tpu.vector_load %arg7[%get3A_124] {strides = array<i32>} : memref<10000xi32, #tpu.memory_space<vmem>>, vector<16xi32>,
      %mul3A_126 = arith.constant 2 : i32
      %mul3A_127 = vector.broadcast %mul3A_126 : i32 to vector<16xi32>
      %mul3A_128 = arith.muli %get3A_125, %mul3A_127 : vector<16xi32>
      %get3A_129 = arith.index_cast %mul3A_123 : i32 to index
      %get3A_130 = tpu.vector_load %arg8[%get3A_129] {strides = array<i32>} : memref<10000xi32, #tpu.memory_space<vmem>>, vector<16xi32>,
      %mul3A_131 = arith.constant 2 : i32
      %mul3A_132 = vector.broadcast %mul3A_131 : i32 to vector<16xi32>
      %mul3A_133 = arith.muli %get3A_130, %mul3A_132 : vector<16xi32>
      %gather3A_134 = tpu.vector_load_idx %arg6[%mul3A_128] : memref<20000xf32, #tpu.memory_space<vmem>>[vector<16xi32>], vector<16xf32>,
      %swap3A_135 = arith.index_cast %mul3A_123 : i32 to index
      %swap3A_136 = tpu.vector_load %arg9[%swap3A_135] {strides = array<i32>} : memref<10000xf32, #tpu.memory_space<vmem>>, vector<16xf32>,
      tpu.vector_store %arg9[%swap3A_135], %gather3A_134 {strides = array<i32>} : memref<10000xf32, #tpu.memory_space<vmem>>, vector<16xf32>,
      %add3A_137 = arith.constant 1 : i32
      %add3A_138 = vector.broadcast %add3A_137 : i32 to vector<16xi32>
      %add3A_139 = arith.addi %mul3A_128, %add3A_138 : vector<16xi32>
      %gather3A_140 = tpu.vector_load_idx %arg6[%add3A_139] : memref<20000xf32, #tpu.memory_space<vmem>>[vector<16xi32>], vector<16xf32>,
      %swap3A_141 = arith.index_cast %mul3A_123 : i32 to index
      %swap3A_142 = tpu.vector_load %arg10[%swap3A_141] {strides = array<i32>} : memref<10000xf32, #tpu.memory_space<vmem>>, vector<16xf32>,
      tpu.vector_store %arg10[%swap3A_141], %gather3A_140 {strides = array<i32>} : memref<10000xf32, #tpu.memory_space<vmem>>, vector<16xf32>,
      %gather3A_143 = tpu.vector_load_idx %arg6[%mul3A_133] : memref<20000xf32, #tpu.memory_space<vmem>>[vector<16xi32>], vector<16xf32>,
      %swap3A_144 = arith.index_cast %mul3A_123 : i32 to index
      %swap3A_145 = tpu.vector_load %arg11[%swap3A_144] {strides = array<i32>} : memref<10000xf32, #tpu.memory_space<vmem>>, vector<16xf32>,
      tpu.vector_store %arg11[%swap3A_144], %gather3A_143 {strides = array<i32>} : memref<10000xf32, #tpu.memory_space<vmem>>, vector<16xf32>,
      %add3A_146 = arith.constant 1 : i32
      %add3A_147 = vector.broadcast %add3A_146 : i32 to vector<16xi32>
      %add3A_148 = arith.addi %mul3A_133, %add3A_147 : vector<16xi32>
      %gather3A_149 = tpu.vector_load_idx %arg6[%add3A_148] : memref<20000xf32, #tpu.memory_space<vmem>>[vector<16xi32>], vector<16xf32>,
      %swap3A_150 = arith.index_cast %mul3A_123 : i32 to index
      %swap3A_151 = tpu.vector_load %arg12[%swap3A_150] {strides = array<i32>} : memref<10000xf32, #tpu.memory_space<vmem>>, vector<16xf32>,
      tpu.vector_store %arg12[%swap3A_150], %gather3A_149 {strides = array<i32>} : memref<10000xf32, #tpu.memory_space<vmem>>, vector<16xf32>,
      %mul3A_152 = arith.constant 5 : i32
      %mul3A_153 = arith.muli %scan3A_17, %mul3A_152 : i32
      %add3A_154 = arith.constant 4 : i32
      %add3A_155 = arith.addi %mul3A_153, %add3A_154 : i32
      %mul3A_156 = arith.constant 16 : i32
      %mul3A_157 = arith.muli %add3A_155, %mul3A_156 : i32
      %get3A_158 = arith.index_cast %mul3A_157 : i32 to index
      %get3A_159 = tpu.vector_load %arg7[%get3A_158] {strides = array<i32>} : memref<10000xi32, #tpu.memory_space<vmem>>, vector<16xi32>,
      %mul3A_160 = arith.constant 2 : i32
      %mul3A_161 = vector.broadcast %mul3A_160 : i32 to vector<16xi32>
      %mul3A_162 = arith.muli %get3A_159, %mul3A_161 : vector<16xi32>
      %get3A_163 = arith.index_cast %mul3A_157 : i32 to index
      %get3A_164 = tpu.vector_load %arg8[%get3A_163] {strides = array<i32>} : memref<10000xi32, #tpu.memory_space<vmem>>, vector<16xi32>,
      %mul3A_165 = arith.constant 2 : i32
      %mul3A_166 = vector.broadcast %mul3A_165 : i32 to vector<16xi32>
      %mul3A_167 = arith.muli %get3A_164, %mul3A_166 : vector<16xi32>
      %gather3A_168 = tpu.vector_load_idx %arg6[%mul3A_162] : memref<20000xf32, #tpu.memory_space<vmem>>[vector<16xi32>], vector<16xf32>,
      %swap3A_169 = arith.index_cast %mul3A_157 : i32 to index
      %swap3A_170 = tpu.vector_load %arg9[%swap3A_169] {strides = array<i32>} : memref<10000xf32, #tpu.memory_space<vmem>>, vector<16xf32>,
      tpu.vector_store %arg9[%swap3A_169], %gather3A_168 {strides = array<i32>} : memref<10000xf32, #tpu.memory_space<vmem>>, vector<16xf32>,
      %add3A_171 = arith.constant 1 : i32
      %add3A_172 = vector.broadcast %add3A_171 : i32 to vector<16xi32>
      %add3A_173 = arith.addi %mul3A_162, %add3A_172 : vector<16xi32>
      %gather3A_174 = tpu.vector_load_idx %arg6[%add3A_173] : memref<20000xf32, #tpu.memory_space<vmem>>[vector<16xi32>], vector<16xf32>,
      %swap3A_175 = arith.index_cast %mul3A_157 : i32 to index
      %swap3A_176 = tpu.vector_load %arg10[%swap3A_175] {strides = array<i32>} : memref<10000xf32, #tpu.memory_space<vmem>>, vector<16xf32>,
      tpu.vector_store %arg10[%swap3A_175], %gather3A_174 {strides = array<i32>} : memref<10000xf32, #tpu.memory_space<vmem>>, vector<16xf32>,
      %gather3A_177 = tpu.vector_load_idx %arg6[%mul3A_167] : memref<20000xf32, #tpu.memory_space<vmem>>[vector<16xi32>], vector<16xf32>,
      %swap3A_178 = arith.index_cast %mul3A_157 : i32 to index
      %swap3A_179 = tpu.vector_load %arg11[%swap3A_178] {strides = array<i32>} : memref<10000xf32, #tpu.memory_space<vmem>>, vector<16xf32>,
      tpu.vector_store %arg11[%swap3A_178], %gather3A_177 {strides = array<i32>} : memref<10000xf32, #tpu.memory_space<vmem>>, vector<16xf32>,
      %add3A_180 = arith.constant 1 : i32
      %add3A_181 = vector.broadcast %add3A_180 : i32 to vector<16xi32>
      %add3A_182 = arith.addi %mul3A_167, %add3A_181 : vector<16xi32>
      %gather3A_183 = tpu.vector_load_idx %arg6[%add3A_182] : memref<20000xf32, #tpu.memory_space<vmem>>[vector<16xi32>], vector<16xf32>,
      %swap3A_184 = arith.index_cast %mul3A_157 : i32 to index
      %swap3A_185 = tpu.vector_load %arg12[%swap3A_184] {strides = array<i32>} : memref<10000xf32, #tpu.memory_space<vmem>>, vector<16xf32>,
      tpu.vector_store %arg12[%swap3A_184], %gather3A_183 {strides = array<i32>} : memref<10000xf32, #tpu.memory_space<vmem>>, vector<16xf32>,
      %scan3A_186 = arith.constant 0 : i32
      scf.yield %scan3A_186 : i32
    }
    %scan3A_8 = arith.constant 125 : i32
    %add3A_9 = arith.constant 0 : i32
    %add3A_10 = arith.addi %add3A_9, %mul3A_2 : i32
    "tpu.region"() ({
      %run_scoped3A = tpu.sem_alloc : memref<!tpu.dma_semaphore, #tpu.memory_space<semaphore_mem>>
      %dma_start3A = tpu.memref_slice %arg5[%add3A_10] : memref<1280000xf32, #tpu.memory_space<hbm>> -> memref<10000xf32, #tpu.memory_space<hbm>>
      %dma_start3A_17 = tpu.memref_slice %arg5[%add3A_10] : memref<1280000xf32, #tpu.memory_space<hbm>> -> memref<10000xf32, #tpu.memory_space<hbm>>
      tpu.enqueue_dma source(%arg9 : memref<10000xf32, #tpu.memory_space<vmem>>) target(%dma_start3A_17 : memref<10000xf32, #tpu.memory_space<hbm>>) target_semaphore(%run_scoped3A : memref<!tpu.dma_semaphore, #tpu.memory_space<semaphore_mem>>)
      %dma_wait3A = tpu.memref_slice %arg5[%add3A_10] : memref<1280000xf32, #tpu.memory_space<hbm>> -> memref<10000xf32, #tpu.memory_space<hbm>>
      %dma_wait3A_18 = tpu.memref_slice %arg5[%add3A_10] : memref<1280000xf32, #tpu.memory_space<hbm>> -> memref<10000xf32, #tpu.memory_space<hbm>>
      tpu.wait_dma2 semaphore(%run_scoped3A : memref<!tpu.dma_semaphore, #tpu.memory_space<semaphore_mem>>) src(%arg9 : memref<10000xf32, #tpu.memory_space<vmem>>) dst(%dma_wait3A_18 : memref<10000xf32, #tpu.memory_space<hbm>>)
      tpu.yield
    }) : () -> ()
    %add3A_11 = arith.constant 320000 : i32
    %add3A_12 = arith.addi %add3A_11, %mul3A_2 : i32
    "tpu.region"() ({
      %run_scoped3A = tpu.sem_alloc : memref<!tpu.dma_semaphore, #tpu.memory_space<semaphore_mem>>
      %dma_start3A = tpu.memref_slice %arg5[%add3A_12] : memref<1280000xf32, #tpu.memory_space<hbm>> -> memref<10000xf32, #tpu.memory_space<hbm>>
      %dma_start3A_17 = tpu.memref_slice %arg5[%add3A_12] : memref<1280000xf32, #tpu.memory_space<hbm>> -> memref<10000xf32, #tpu.memory_space<hbm>>
      tpu.enqueue_dma source(%arg10 : memref<10000xf32, #tpu.memory_space<vmem>>) target(%dma_start3A_17 : memref<10000xf32, #tpu.memory_space<hbm>>) target_semaphore(%run_scoped3A : memref<!tpu.dma_semaphore, #tpu.memory_space<semaphore_mem>>)
      %dma_wait3A = tpu.memref_slice %arg5[%add3A_12] : memref<1280000xf32, #tpu.memory_space<hbm>> -> memref<10000xf32, #tpu.memory_space<hbm>>
      %dma_wait3A_18 = tpu.memref_slice %arg5[%add3A_12] : memref<1280000xf32, #tpu.memory_space<hbm>> -> memref<10000xf32, #tpu.memory_space<hbm>>
      tpu.wait_dma2 semaphore(%run_scoped3A : memref<!tpu.dma_semaphore, #tpu.memory_space<semaphore_mem>>) src(%arg10 : memref<10000xf32, #tpu.memory_space<vmem>>) dst(%dma_wait3A_18 : memref<10000xf32, #tpu.memory_space<hbm>>)
      tpu.yield
    }) : () -> ()
    %add3A_13 = arith.constant 640000 : i32
    %add3A_14 = arith.addi %add3A_13, %mul3A_2 : i32
    "tpu.region"() ({
      %run_scoped3A = tpu.sem_alloc : memref<!tpu.dma_semaphore, #tpu.memory_space<semaphore_mem>>
      %dma_start3A = tpu.memref_slice %arg5[%add3A_14] : memref<1280000xf32, #tpu.memory_space<hbm>> -> memref<10000xf32, #tpu.memory_space<hbm>>
      %dma_start3A_17 = tpu.memref_slice %arg5[%add3A_14] : memref<1280000xf32, #tpu.memory_space<hbm>> -> memref<10000xf32, #tpu.memory_space<hbm>>
      tpu.enqueue_dma source(%arg11 : memref<10000xf32, #tpu.memory_space<vmem>>) target(%dma_start3A_17 : memref<10000xf32, #tpu.memory_space<hbm>>) target_semaphore(%run_scoped3A : memref<!tpu.dma_semaphore, #tpu.memory_space<semaphore_mem>>)
      %dma_wait3A = tpu.memref_slice %arg5[%add3A_14] : memref<1280000xf32, #tpu.memory_space<hbm>> -> memref<10000xf32, #tpu.memory_space<hbm>>
      %dma_wait3A_18 = tpu.memref_slice %arg5[%add3A_14] : memref<1280000xf32, #tpu.memory_space<hbm>> -> memref<10000xf32, #tpu.memory_space<hbm>>
      tpu.wait_dma2 semaphore(%run_scoped3A : memref<!tpu.dma_semaphore, #tpu.memory_space<semaphore_mem>>) src(%arg11 : memref<10000xf32, #tpu.memory_space<vmem>>) dst(%dma_wait3A_18 : memref<10000xf32, #tpu.memory_space<hbm>>)
      tpu.yield
    }) : () -> ()
    %add3A_15 = arith.constant 960000 : i32
    %add3A_16 = arith.addi %add3A_15, %mul3A_2 : i32
    "tpu.region"() ({
      %run_scoped3A = tpu.sem_alloc : memref<!tpu.dma_semaphore, #tpu.memory_space<semaphore_mem>>
      %dma_start3A = tpu.memref_slice %arg5[%add3A_16] : memref<1280000xf32, #tpu.memory_space<hbm>> -> memref<10000xf32, #tpu.memory_space<hbm>>
      %dma_start3A_17 = tpu.memref_slice %arg5[%add3A_16] : memref<1280000xf32, #tpu.memory_space<hbm>> -> memref<10000xf32, #tpu.memory_space<hbm>>
      tpu.enqueue_dma source(%arg12 : memref<10000xf32, #tpu.memory_space<vmem>>) target(%dma_start3A_17 : memref<10000xf32, #tpu.memory_space<hbm>>) target_semaphore(%run_scoped3A : memref<!tpu.dma_semaphore, #tpu.memory_space<semaphore_mem>>)
      %dma_wait3A = tpu.memref_slice %arg5[%add3A_16] : memref<1280000xf32, #tpu.memory_space<hbm>> -> memref<10000xf32, #tpu.memory_space<hbm>>
      %dma_wait3A_18 = tpu.memref_slice %arg5[%add3A_16] : memref<1280000xf32, #tpu.memory_space<hbm>> -> memref<10000xf32, #tpu.memory_space<hbm>>
      tpu.wait_dma2 semaphore(%run_scoped3A : memref<!tpu.dma_semaphore, #tpu.memory_space<semaphore_mem>>) src(%arg12 : memref<10000xf32, #tpu.memory_space<vmem>>) dst(%dma_wait3A_18 : memref<10000xf32, #tpu.memory_space<hbm>>)
      tpu.yield
    }) : () -> ()
    return
  }
}

module attributes {stable_mosaic.version = 14 : i64} {
  func.func @_tc_alpha_body(%arg0: i32, %arg1: memref<4x2560xf32, #tpu.memory_space<vmem>>, %arg2: memref<1x1x2560xf32, #tpu.memory_space<vmem>>, %arg3: memref<128x4xf32, #tpu.memory_space<vmem>>, %arg4: memref<128x1xf32, #tpu.memory_space<vmem>>, %arg5: memref<128x1xf32, #tpu.memory_space<vmem>>, %arg6: memref<1x1x2560xf32, #tpu.memory_space<vmem>>) attributes {dimension_semantics = [#tpu.dimension_semantics<arbitrary>], iteration_bounds = array<i64: 125>, scalar_prefetch = 0 : i64, scratch_operands = 0 : i64, tpu.core_type = #tpu.core_type<tc>, window_params = [{transform_indices = @transform_0, window_bounds = array<i64: 4, 2560>}, {transform_indices = @transform_1, window_bounds = array<i64: 1, 1, 2560>}, {pipeline_mode = #tpu.pipeline_mode<synchronous>, transform_indices = @transform_2, window_bounds = array<i64: 128, 4>}, {pipeline_mode = #tpu.pipeline_mode<synchronous>, transform_indices = @transform_3, window_bounds = array<i64: 128, 1>}, {pipeline_mode = #tpu.pipeline_mode<synchronous>, transform_indices = @transform_4, window_bounds = array<i64: 128, 1>}, {transform_indices = @transform_5, window_bounds = array<i64: 1, 1, 2560>}]} {
    %get3A = arith.constant 0 : index
    %get3A_0 = arith.constant 0 : index
    %get3A_1 = vector.load %arg1[%get3A, %get3A_0] : memref<4x2560xf32, #tpu.memory_space<vmem>>, vector<4x2560xf32>
    %get3A_2 = arith.constant 0 : index
    %get3A_3 = arith.constant 0 : index
    %get3A_4 = vector.load %arg3[%get3A_2, %get3A_3] : memref<128x4xf32, #tpu.memory_space<vmem>>, vector<128x4xf32>
    %dot_general3A = arith.constant dense<0.000000e+00> : vector<128x2560xf32>
    %dot_general3A_5 = tpu.matmul %get3A_4, %get3A_1, %dot_general3A {dimension_numbers = #tpu.dot_dimension_numbers<[1], [0], [0], [1], [0, 0, 1, 1], [], []>, transpose_lhs_hint = false} : vector<128x4xf32>, vector<4x2560xf32>, vector<128x2560xf32> -> vector<128x2560xf32>
    %get3A_6 = arith.constant 0 : index
    %get3A_7 = arith.constant 0 : index
    %get3A_8 = vector.load %arg4[%get3A_6, %get3A_7] : memref<128x1xf32, #tpu.memory_space<vmem>>, vector<128x1xf32>
    %get3A_9 = arith.constant 0 : index
    %get3A_10 = arith.constant 0 : index
    %get3A_11 = arith.constant 0 : index
    %get3A_12 = vector.load %arg2[%get3A_9, %get3A_10, %get3A_11] : memref<1x1x2560xf32, #tpu.memory_space<vmem>>, vector<1x1x2560xf32>
    %get3A_13 = vector.shape_cast %get3A_12 : vector<1x1x2560xf32> to vector<1x2560xf32>
    %mul3A = vector.broadcast %get3A_8 : vector<128x1xf32> to vector<128x2560xf32>
    %mul3A_14 = vector.broadcast %get3A_13 : vector<1x2560xf32> to vector<128x2560xf32>
    %mul3A_15 = arith.mulf %mul3A, %mul3A_14 : vector<128x2560xf32>
    %add3A = arith.addf %dot_general3A_5, %mul3A_15 : vector<128x2560xf32>
    %gt3A = arith.constant 0.000000e+00 : f32
    %gt3A_16 = vector.broadcast %gt3A : f32 to vector<128x2560xf32>
    %gt3A_17 = arith.cmpf ogt, %add3A, %gt3A_16 : vector<128x2560xf32>
    %mul3A_18 = arith.constant 2.000000e-01 : f32
    %mul3A_19 = vector.broadcast %mul3A_18 : f32 to vector<128x2560xf32>
    %mul3A_20 = arith.mulf %add3A, %mul3A_19 : vector<128x2560xf32>
    %select_n3A = arith.select %gt3A_17, %add3A, %mul3A_20 : vector<128x2560xi1>, vector<128x2560xf32>
    %get3A_21 = arith.constant 0 : index
    %get3A_22 = arith.constant 0 : index
    %get3A_23 = vector.load %arg5[%get3A_21, %get3A_22] : memref<128x1xf32, #tpu.memory_space<vmem>>, vector<128x1xf32>
    %mul3A_24 = vector.broadcast %get3A_23 : vector<128x1xf32> to vector<128x2560xf32>
    %mul3A_25 = arith.mulf %select_n3A, %mul3A_24 : vector<128x2560xf32>
    %reduce_sum3A = arith.constant dense<0.000000e+00> : vector<2560xf32>
    %reduce_sum3A_26 = vector.multi_reduction <add>, %mul3A_25, %reduce_sum3A [0] : vector<128x2560xf32> to vector<2560xf32>
    %broadcast_in_dim3A = vector.shape_cast %reduce_sum3A_26 : vector<2560xf32> to vector<1x2560xf32>
    %exp3A = math.exp %broadcast_in_dim3A : vector<1x2560xf32>
    %swap3A = arith.constant 0 : index
    %swap3A_27 = arith.constant 0 : index
    %swap3A_28 = arith.constant 0 : index
    %swap3A_29 = vector.load %arg6[%swap3A, %swap3A_27, %swap3A_28] : memref<1x1x2560xf32, #tpu.memory_space<vmem>>, vector<1x1x2560xf32>
    %swap3A_30 = vector.shape_cast %swap3A_29 : vector<1x1x2560xf32> to vector<1x2560xf32>
    %swap3A_31 = vector.shape_cast %exp3A : vector<1x2560xf32> to vector<1x1x2560xf32>
    tpu.vector_store %arg6[%swap3A, %swap3A_27, %swap3A_28], %swap3A_31 {strides = array<i32>} : memref<1x1x2560xf32, #tpu.memory_space<vmem>>, vector<1x1x2560xf32>,
    return
  }
  func.func @transform_0(%arg0: i32) -> (i32, i32) {
    %c0_i32 = arith.constant 0 : i32
    %c0_i32_0 = arith.constant 0 : i32
    return %c0_i32, %arg0 : i32, i32
  }
  func.func @transform_1(%arg0: i32) -> (i32, i32, i32) {
    %c0_i32 = arith.constant 0 : i32
    %c0_i32_0 = arith.constant 0 : i32
    %c0_i32_1 = arith.constant 0 : i32
    return %arg0, %c0_i32, %c0_i32_0 : i32, i32, i32
  }
  func.func @transform_2(%arg0: i32) -> (i32, i32) {
    %c0_i32 = arith.constant 0 : i32
    %c0_i32_0 = arith.constant 0 : i32
    %c0_i32_1 = arith.constant 0 : i32
    return %c0_i32, %c0_i32_0 : i32, i32
  }
  func.func @transform_3(%arg0: i32) -> (i32, i32) {
    %c0_i32 = arith.constant 0 : i32
    %c0_i32_0 = arith.constant 0 : i32
    %c0_i32_1 = arith.constant 0 : i32
    return %c0_i32, %c0_i32_0 : i32, i32
  }
  func.func @transform_4(%arg0: i32) -> (i32, i32) {
    %c0_i32 = arith.constant 0 : i32
    %c0_i32_0 = arith.constant 0 : i32
    %c0_i32_1 = arith.constant 0 : i32
    return %c0_i32, %c0_i32_0 : i32, i32
  }
  func.func @transform_5(%arg0: i32) -> (i32, i32, i32) {
    %c0_i32 = arith.constant 0 : i32
    %c0_i32_0 = arith.constant 0 : i32
    %c0_i32_1 = arith.constant 0 : i32
    return %arg0, %c0_i32, %c0_i32_0 : i32, i32, i32
  }
}

module attributes {stable_mosaic.version = 14 : i64} {
  func.func @_tc_decode_body(%arg0: i32, %arg1: memref<3x32x10x1000xf32, #tpu.memory_space<vmem>>, %arg2: memref<128x2xf32, #tpu.memory_space<vmem>>, %arg3: memref<128x1xf32, #tpu.memory_space<vmem>>, %arg4: memref<128x1xf32, #tpu.memory_space<vmem>>, %arg5: memref<128x1xf32, #tpu.memory_space<vmem>>, %arg6: memref<1x1000x1000xf32, #tpu.memory_space<vmem>>, %arg7: memref<10x128x1000xf32, #tpu.memory_space<vmem>>) attributes {dimension_semantics = [#tpu.dimension_semantics<arbitrary>], iteration_bounds = array<i64: 10>, scalar_prefetch = 0 : i64, scratch_operands = 1 : i64, tpu.core_type = #tpu.core_type<tc>, window_params = [{pipeline_mode = #tpu.pipeline_mode<synchronous>, transform_indices = @transform_0, window_bounds = array<i64: 3, 32, 10, 1000>}, {pipeline_mode = #tpu.pipeline_mode<synchronous>, transform_indices = @transform_1, window_bounds = array<i64: 128, 2>}, {pipeline_mode = #tpu.pipeline_mode<synchronous>, transform_indices = @transform_2, window_bounds = array<i64: 128, 1>}, {pipeline_mode = #tpu.pipeline_mode<synchronous>, transform_indices = @transform_3, window_bounds = array<i64: 128, 1>}, {pipeline_mode = #tpu.pipeline_mode<synchronous>, transform_indices = @transform_4, window_bounds = array<i64: 128, 1>}, {transform_indices = @transform_5, window_bounds = array<i64: 1, 1000, 1000>}]} {
    %eq3A = arith.constant 0 : i32
    %eq3A_0 = arith.cmpi eq, %arg0, %eq3A : i32
    %convert_element_type3A = arith.extui %eq3A_0 : i1 to i32
    %cond3A = arith.constant 0 : i32
    %cond3A_1 = arith.cmpi ne, %convert_element_type3A, %cond3A : i32
    scf.if %cond3A_1 {
      %get3A_17 = arith.constant 0 : index
      %get3A_18 = arith.constant 0 : index
      %get3A_19 = arith.constant 0 : index
      %get3A_20 = arith.constant 0 : index
      %get3A_21 = vector.load %arg1[%get3A_17, %get3A_18, %get3A_19, %get3A_20] : memref<3x32x10x1000xf32, #tpu.memory_space<vmem>>, vector<3x32x10x1000xf32>
      %reduce_sum3A_22 = arith.constant dense<0.000000e+00> : vector<3x10x1000xf32>
      %reduce_sum3A_23 = vector.multi_reduction <add>, %get3A_21, %reduce_sum3A_22 [1] : vector<3x32x10x1000xf32> to vector<3x10x1000xf32>
      %slice3A = vector.extract_strided_slice %reduce_sum3A_23 {offsets = [0, 0, 0], sizes = [1, 10, 1000], strides = [1, 1, 1]} : vector<3x10x1000xf32> to vector<1x10x1000xf32>
      %squeeze3A = vector.shape_cast %slice3A : vector<1x10x1000xf32> to vector<10x1000xf32>
      %add3A = arith.constant 1.000000e-16 : f32
      %add3A_24 = vector.broadcast %add3A : f32 to vector<10x1000xf32>
      %add3A_25 = arith.addf %squeeze3A, %add3A_24 : vector<10x1000xf32>
      %div3A_26 = arith.constant 1.000000e+00 : f32
      %div3A_27 = vector.broadcast %div3A_26 : f32 to vector<10x1000xf32>
      %div3A_28 = arith.divf %div3A_27, %add3A_25 : vector<10x1000xf32>
      %slice3A_29 = vector.extract_strided_slice %reduce_sum3A_23 {offsets = [1, 0, 0], sizes = [1, 10, 1000], strides = [1, 1, 1]} : vector<3x10x1000xf32> to vector<1x10x1000xf32>
      %squeeze3A_30 = vector.shape_cast %slice3A_29 : vector<1x10x1000xf32> to vector<10x1000xf32>
      %mul3A = arith.mulf %squeeze3A_30, %div3A_28 : vector<10x1000xf32>
      %broadcast_in_dim3A_31 = vector.shape_cast %mul3A : vector<10x1000xf32> to vector<10x1x1000xf32>
      %slice3A_32 = vector.extract_strided_slice %reduce_sum3A_23 {offsets = [2, 0, 0], sizes = [1, 10, 1000], strides = [1, 1, 1]} : vector<3x10x1000xf32> to vector<1x10x1000xf32>
      %squeeze3A_33 = vector.shape_cast %slice3A_32 : vector<1x10x1000xf32> to vector<10x1000xf32>
      %mul3A_34 = arith.mulf %squeeze3A_33, %div3A_28 : vector<10x1000xf32>
      %broadcast_in_dim3A_35 = vector.shape_cast %mul3A_34 : vector<10x1000xf32> to vector<10x1x1000xf32>
      %get3A_36 = arith.constant 0 : index
      %get3A_37 = arith.constant 0 : index
      %get3A_38 = vector.load %arg2[%get3A_36, %get3A_37] : memref<128x2xf32, #tpu.memory_space<vmem>>, vector<128x1xf32>
      %broadcast_in_dim3A_39 = vector.shape_cast %get3A_38 : vector<128x1xf32> to vector<1x128x1xf32>
      %get3A_40 = arith.constant 0 : index
      %get3A_41 = arith.constant 1 : index
      %get3A_42 = vector.load %arg2[%get3A_40, %get3A_41] : memref<128x2xf32, #tpu.memory_space<vmem>>, vector<128x1xf32>
      %broadcast_in_dim3A_43 = vector.shape_cast %get3A_42 : vector<128x1xf32> to vector<1x128x1xf32>
      %mul3A_44 = vector.broadcast %broadcast_in_dim3A_31 : vector<10x1x1000xf32> to vector<10x128x1000xf32>
      %mul3A_45 = vector.broadcast %broadcast_in_dim3A_39 : vector<1x128x1xf32> to vector<10x128x1000xf32>
      %mul3A_46 = arith.mulf %mul3A_44, %mul3A_45 : vector<10x128x1000xf32>
      %mul3A_47 = vector.broadcast %broadcast_in_dim3A_35 : vector<10x1x1000xf32> to vector<10x128x1000xf32>
      %mul3A_48 = vector.broadcast %broadcast_in_dim3A_43 : vector<1x128x1xf32> to vector<10x128x1000xf32>
      %mul3A_49 = arith.mulf %mul3A_47, %mul3A_48 : vector<10x128x1000xf32>
      %add3A_50 = arith.addf %mul3A_46, %mul3A_49 : vector<10x128x1000xf32>
      %get3A_51 = arith.constant 0 : index
      %get3A_52 = arith.constant 0 : index
      %get3A_53 = vector.load %arg3[%get3A_51, %get3A_52] : memref<128x1xf32, #tpu.memory_space<vmem>>, vector<128x1xf32>
      %broadcast_in_dim3A_54 = vector.shape_cast %get3A_53 : vector<128x1xf32> to vector<1x128x1xf32>
      %add3A_55 = vector.broadcast %broadcast_in_dim3A_54 : vector<1x128x1xf32> to vector<10x128x1000xf32>
      %add3A_56 = arith.addf %add3A_50, %add3A_55 : vector<10x128x1000xf32>
      %reduce_sum3A_57 = arith.constant dense<0.000000e+00> : vector<128x1000xf32>
      %reduce_sum3A_58 = vector.multi_reduction <add>, %add3A_56, %reduce_sum3A_57 [0] : vector<10x128x1000xf32> to vector<128x1000xf32>
      %broadcast_in_dim3A_59 = vector.shape_cast %reduce_sum3A_58 : vector<128x1000xf32> to vector<1x128x1000xf32>
      %reduce_sum3A_60 = arith.constant dense<0.000000e+00> : vector<1x128xf32>
      %reduce_sum3A_61 = vector.multi_reduction <add>, %broadcast_in_dim3A_59, %reduce_sum3A_60 [2] : vector<1x128x1000xf32> to vector<1x128xf32>
      %broadcast_in_dim3A_62 = vector.shape_cast %reduce_sum3A_61 : vector<1x128xf32> to vector<1x128x1xf32>
      %div3A_63 = arith.constant 1.000000e+04 : f32
      %div3A_64 = vector.broadcast %div3A_63 : f32 to vector<1x128x1xf32>
      %div3A_65 = arith.divf %broadcast_in_dim3A_62, %div3A_64 : vector<1x128x1xf32>
      %sub3A_66 = vector.broadcast %div3A_65 : vector<1x128x1xf32> to vector<10x128x1000xf32>
      %sub3A_67 = arith.subf %add3A_56, %sub3A_66 : vector<10x128x1000xf32>
      %mul3A_68 = arith.mulf %sub3A_67, %sub3A_67 : vector<10x128x1000xf32>
      %reduce_sum3A_69 = arith.constant dense<0.000000e+00> : vector<128x1000xf32>
      %reduce_sum3A_70 = vector.multi_reduction <add>, %mul3A_68, %reduce_sum3A_69 [0] : vector<10x128x1000xf32> to vector<128x1000xf32>
      %broadcast_in_dim3A_71 = vector.shape_cast %reduce_sum3A_70 : vector<128x1000xf32> to vector<1x128x1000xf32>
      %reduce_sum3A_72 = arith.constant dense<0.000000e+00> : vector<1x128xf32>
      %reduce_sum3A_73 = vector.multi_reduction <add>, %broadcast_in_dim3A_71, %reduce_sum3A_72 [2] : vector<1x128x1000xf32> to vector<1x128xf32>
      %broadcast_in_dim3A_74 = vector.shape_cast %reduce_sum3A_73 : vector<1x128xf32> to vector<1x128x1xf32>
      %div3A_75 = arith.constant 1.000000e+04 : f32
      %div3A_76 = vector.broadcast %div3A_75 : f32 to vector<1x128x1xf32>
      %div3A_77 = arith.divf %broadcast_in_dim3A_74, %div3A_76 : vector<1x128x1xf32>
      %add3A_78 = arith.constant 9.99999974E-6 : f32
      %add3A_79 = vector.broadcast %add3A_78 : f32 to vector<1x128x1xf32>
      %add3A_80 = arith.addf %div3A_77, %add3A_79 : vector<1x128x1xf32>
      %sqrt3A = math.sqrt %add3A_80 : vector<1x128x1xf32>
      %div3A_81 = vector.broadcast %sqrt3A : vector<1x128x1xf32> to vector<10x128x1000xf32>
      %div3A_82 = arith.divf %sub3A_67, %div3A_81 : vector<10x128x1000xf32>
      %get3A_83 = arith.constant 0 : index
      %get3A_84 = arith.constant 0 : index
      %get3A_85 = vector.load %arg4[%get3A_83, %get3A_84] : memref<128x1xf32, #tpu.memory_space<vmem>>, vector<128x1xf32>
      %broadcast_in_dim3A_86 = vector.shape_cast %get3A_85 : vector<128x1xf32> to vector<1x128x1xf32>
      %mul3A_87 = vector.broadcast %broadcast_in_dim3A_86 : vector<1x128x1xf32> to vector<10x128x1000xf32>
      %mul3A_88 = arith.mulf %div3A_82, %mul3A_87 : vector<10x128x1000xf32>
      %get3A_89 = arith.constant 0 : index
      %get3A_90 = arith.constant 0 : index
      %get3A_91 = vector.load %arg5[%get3A_89, %get3A_90] : memref<128x1xf32, #tpu.memory_space<vmem>>, vector<128x1xf32>
      %broadcast_in_dim3A_92 = vector.shape_cast %get3A_91 : vector<128x1xf32> to vector<1x128x1xf32>
      %add3A_93 = vector.broadcast %broadcast_in_dim3A_92 : vector<1x128x1xf32> to vector<10x128x1000xf32>
      %add3A_94 = arith.addf %mul3A_88, %add3A_93 : vector<10x128x1000xf32>
      %max3A = arith.constant 0.000000e+00 : f32
      %max3A_95 = vector.broadcast %max3A : f32 to vector<10x128x1000xf32>
      %max3A_96 = arith.maximumf %add3A_94, %max3A_95 : vector<10x128x1000xf32>
      %swap3A_97 = arith.constant 0 : index
      %swap3A_98 = arith.constant 0 : index
      %swap3A_99 = arith.constant 0 : index
      %swap3A_100 = vector.load %arg7[%swap3A_97, %swap3A_98, %swap3A_99] : memref<10x128x1000xf32, #tpu.memory_space<vmem>>, vector<10x128x1000xf32>
      tpu.vector_store %arg7[%swap3A_97, %swap3A_98, %swap3A_99], %max3A_96 {strides = array<i32>} : memref<10x128x1000xf32, #tpu.memory_space<vmem>>, vector<10x128x1000xf32>,
    } else {
    }
    %get3A = arith.index_cast %arg0 : i32 to index
    %get3A_2 = arith.constant 0 : index
    %get3A_3 = arith.constant 0 : index
    %get3A_4 = vector.load %arg7[%get3A, %get3A_2, %get3A_3] : memref<10x128x1000xf32, #tpu.memory_space<vmem>>, vector<1x128x1000xf32>
    %get3A_5 = vector.shape_cast %get3A_4 : vector<1x128x1000xf32> to vector<128x1000xf32>
    %convert_element_type3A_6 = arith.truncf %get3A_5 : vector<128x1000xf32> to vector<128x1000xbf16>
    %dot_general3A = arith.constant dense<0.000000e+00> : vector<1000x1000xf32>
    %dot_general3A_7 = tpu.matmul %convert_element_type3A_6, %convert_element_type3A_6, %dot_general3A {dimension_numbers = #tpu.dot_dimension_numbers<[0], [0], [1], [1], [0, 1, 1, 1], [], []>, transpose_lhs_hint = false} : vector<128x1000xbf16>, vector<128x1000xbf16>, vector<1000x1000xf32> -> vector<1000x1000xf32>
    %reduce_max3A = arith.constant dense<0xFF800000> : vector<1000xf32>
    %reduce_max3A_8 = vector.multi_reduction <maximumf>, %dot_general3A_7, %reduce_max3A [0] : vector<1000x1000xf32> to vector<1000xf32>
    %broadcast_in_dim3A = vector.shape_cast %reduce_max3A_8 : vector<1000xf32> to vector<1x1000xf32>
    %sub3A = vector.broadcast %broadcast_in_dim3A : vector<1x1000xf32> to vector<1000x1000xf32>
    %sub3A_9 = arith.subf %dot_general3A_7, %sub3A : vector<1000x1000xf32>
    %exp3A = math.exp %sub3A_9 : vector<1000x1000xf32>
    %reduce_sum3A = arith.constant dense<0.000000e+00> : vector<1000xf32>
    %reduce_sum3A_10 = vector.multi_reduction <add>, %exp3A, %reduce_sum3A [0] : vector<1000x1000xf32> to vector<1000xf32>
    %broadcast_in_dim3A_11 = vector.shape_cast %reduce_sum3A_10 : vector<1000xf32> to vector<1x1000xf32>
    %div3A = vector.broadcast %broadcast_in_dim3A_11 : vector<1x1000xf32> to vector<1000x1000xf32>
    %div3A_12 = arith.divf %exp3A, %div3A : vector<1000x1000xf32>
    %broadcast_in_dim3A_13 = vector.shape_cast %div3A_12 : vector<1000x1000xf32> to vector<1x1000x1000xf32>
    %swap3A = arith.constant 0 : index
    %swap3A_14 = arith.constant 0 : index
    %swap3A_15 = arith.constant 0 : index
    %swap3A_16 = vector.load %arg6[%swap3A, %swap3A_14, %swap3A_15] : memref<1x1000x1000xf32, #tpu.memory_space<vmem>>, vector<1x1000x1000xf32>
    tpu.vector_store %arg6[%swap3A, %swap3A_14, %swap3A_15], %broadcast_in_dim3A_13 {strides = array<i32>} : memref<1x1000x1000xf32, #tpu.memory_space<vmem>>, vector<1x1000x1000xf32>,
    return
  }
  func.func @transform_0(%arg0: i32) -> (i32, i32, i32, i32) {
    %c0_i32 = arith.constant 0 : i32
    %c0_i32_0 = arith.constant 0 : i32
    %c0_i32_1 = arith.constant 0 : i32
    %c0_i32_2 = arith.constant 0 : i32
    %c0_i32_3 = arith.constant 0 : i32
    return %c0_i32, %c0_i32_0, %c0_i32_1, %c0_i32_2 : i32, i32, i32, i32
  }
  func.func @transform_1(%arg0: i32) -> (i32, i32) {
    %c0_i32 = arith.constant 0 : i32
    %c0_i32_0 = arith.constant 0 : i32
    %c0_i32_1 = arith.constant 0 : i32
    return %c0_i32, %c0_i32_0 : i32, i32
  }
  func.func @transform_2(%arg0: i32) -> (i32, i32) {
    %c0_i32 = arith.constant 0 : i32
    %c0_i32_0 = arith.constant 0 : i32
    %c0_i32_1 = arith.constant 0 : i32
    return %c0_i32, %c0_i32_0 : i32, i32
  }
  func.func @transform_3(%arg0: i32) -> (i32, i32) {
    %c0_i32 = arith.constant 0 : i32
    %c0_i32_0 = arith.constant 0 : i32
    %c0_i32_1 = arith.constant 0 : i32
    return %c0_i32, %c0_i32_0 : i32, i32
  }
  func.func @transform_4(%arg0: i32) -> (i32, i32) {
    %c0_i32 = arith.constant 0 : i32
    %c0_i32_0 = arith.constant 0 : i32
    %c0_i32_1 = arith.constant 0 : i32
    return %c0_i32, %c0_i32_0 : i32, i32
  }
  func.func @transform_5(%arg0: i32) -> (i32, i32, i32) {
    %c0_i32 = arith.constant 0 : i32
    %c0_i32_0 = arith.constant 0 : i32
    %c0_i32_1 = arith.constant 0 : i32
    return %arg0, %c0_i32, %c0_i32_0 : i32, i32, i32
  }
}

</mosaic_0001>

<sc_bundles>
// kernel: kernel.6.cloned.1.call-start
scs
__scs_entry_jumppad:
0x0: {  	(pc) =	sbr.rel $0x88, $3  }
0x1: {  	(tag) =	ssettag $0x0;
	lr =	simm.s32 $0x1  }
0x2: {  	[smem:$0x3F97] =	sst lr;
	_ =	strace $0xD0000000  }
0x3: {  	_ = 	snop  }
0x4: {  	_ = 	snop  }
0x5: {  	_ = 	snop  }
0x6: {  	_ = 	snop  }
0x7: {  	_ = 	snop  }
__scs_overlays_trampoline_lowered:
0x8: {  	[smem:$0x3FA6] =	sst s0  }
0x9: {  	[smem:$0x3FA7] =	sst s1  }
0xa: {  	[smem:$0x3FA8] =	sst s2  }
0xb: {  	[smem:$0x3FA9] =	sst s3  }
0xc: {  	[smem:$0x3FAA] =	sst s4  }
0xd: {  	[smem:$0x3FAB] =	sst s5  }
0xe: {  	[smem:$0x3FAC] =	sst s6  }
0xf: {  	[smem:$0x3FAD] =	sst s7  }
0x10: {  	[smem:$0x3FAE] =	sst s8  }
0x11: {  	[smem:$0x3FAF] =	sst s9;
	s0 =	simm.s32 @!p0 $0x0  }
0x12: {  	s1 =	sld [smem:$0x3F95];
	s0 =	simm.s32 @p0 $0x1  }
0x13: {  	[smem:$0x3FB0] =	sst s0;
	s0 =	simm.s32 @!p1 $0x0  }
0x14: {  	s2 =	sld [smem:$0x3F94];
	s0 =	simm.s32 @p1 $0x1  }
0x15: {  	[smem:$0x3FB1] =	sst s0;
	s0 =	simm.s32 @!p2 $0x0  }
0x16: {  	s3 =	sld [smem:$0x3FDB];
	s0 =	simm.s32 @p2 $0x1  }
0x17: {  	s4 =	simm.s32 $0x1BF5;
	[smem:$0x3FB3] =	sst s0  }
0x18: {  	s0 =	sld [smem:$0x3F96];
	_ =	swait.ge [sflag:s4], $0x0  }
0x19: {  	s7 =	sld [smem:$0x3F97]  }
0x1a: {  	s8 =	sadd.s32 $0xFFFFE003, lr  }
0x1b: {  	s9 =	sadd.s32 $0xFFFFFEF7, lr;
	s5 =	simm.s32 $0xFFFFFFFF;
	p2 =	slt.u32 s8, $0xFFFFF086  }
0x1c: {  	p1 =	slt.u32 s9, $0xF7A;
	s5 =	simm.s32 @!p2 $0x0  }
0x1d: {  	s5 =	simm.s32 @p1 $0x1;
	p0 =	seq.s32 s7, s2  }
0x1e: {  	s7 =	smul.u32 @!p0 $0xF7A, s2;
	p2 =	seq.s32 @!p0 s5, $0x0  }
0x1f: {  	s9 =	smul.u32 $0xF7A, s1;
	s8 =	simm.s32 @!p0 $0x1BF5;
	p2 =	por !p2, p0  }
0x20: {  	[sflag:s8] =	ssyncset.s32 @!p0 $0xFFFFF086;
	s6 =	sadd.s32 @!p0 s3, s7;
	s7 =	simm.s32 @!p0 $0x108  }
0x21: {  	s3 =	sadd.s32 s3, s9;
	s6 =	sadd.s32 @!p0 $0x88, s6;
	s7 =	simm.s32 @p2 $0x1082  }
0x22: {  	[simem:s7], [sflag:s8] =	dma.local @!p0 [hbm:s6], $0xF7A  }
0x23: {  	s9 =	sor.u32 $0xD0000000, s2;
	s6 =	simm.s32 $0x108;
	_ =	swait.ge @!p0 [sflag:s8], $0x0  }
0x24: {  	s3 =	sadd.s32 $0x88, s3;
	s6 =	simm.s32 @!p1 $0x1082;
	[sflag:s4] =	ssyncset.s32 $0xFFFFF086  }
0x25: {  	[simem:s6], [sflag:s4] =	dma.local [hbm:s3], $0xF7A  }
0x26: {  	[smem:$0x3F97] =	sst s1;
	(tag) =	ssettag s2;
	_ =	strace s9  }
0x27: {  	s1 =	sld [smem:$0x3FA7]  }
0x28: {  	s2 =	sld [smem:$0x3FA8]  }
0x29: {  	s4 =	sld [smem:$0x3FAA]  }
0x2a: {  	p0 =	seq.s32 s5, $0x0;
	s5 =	sld [smem:$0x3FAB]  }
0x2b: {  	s6 =	sld [smem:$0x3FAC]  }
0x2c: {  	s7 =	sld [smem:$0x3FAD]  }
0x2d: {  	s3 =	simm.s32 $0x108;
	s8 =	sld [smem:$0x3FAE]  }
0x2e: {  	s3 =	simm.s32 @!p0 $0x1082;
	s9 =	sld [smem:$0x3FAF]  }
0x2f: {  	lr =	sadd.s32 s0, s3;
	s0 =	sld [smem:$0x3FA6]  }
0x30: {  	s3 =	sld [smem:$0x3FA9]  }
0x31: {  	[smem:$0x3FB2] =	sst s10  }
0x32: {  	s10 =	sld [smem:$0x3FB0];
	_ =	sdelay $0x3  }
0x33: {  	p0 =	seq.s32 s10, $0x1;
	s10 =	sld [smem:$0x3FB2];
	_ =	sdelay $0x3  }
0x34: {  	[smem:$0x3FB2] =	sst s10  }
0x35: {  	s10 =	sld [smem:$0x3FB1];
	_ =	sdelay $0x3  }
0x36: {  	p1 =	seq.s32 s10, $0x1;
	s10 =	sld [smem:$0x3FB2];
	_ =	sdelay $0x3  }
0x37: {  	[smem:$0x3FB2] =	sst s10  }
0x38: {  	s10 =	sld [smem:$0x3FB3]  }
0x39: {  	_ = 	snop;
	(pc) =	sbr.ind lr, $3  }
0x3a: {  	_ = 	snop  }
0x3b: {  	_ = 	snop  }
0x3c: {  	p2 =	seq.s32 s10, $0x1;
	s10 =	sld [smem:$0x3FB2]  }
0x3d: {  	_ =	shalt  }
0x3e: {  	_ =	shalt  }
0x3f: {  	_ =	shalt  }
0x40: {  	_ =	shalt  }
0x41: {  	_ =	shalt  }
0x42: {  	_ =	shalt  }
0x43: {  	_ =	shalt  }
0x44: {  	_ =	shalt  }
0x45: {  	_ =	shalt  }
0x46: {  	_ =	shalt  }
0x47: {  	_ =	shalt  }
0x48: {  	_ =	shalt  }
0x49: {  	_ =	shalt  }
0x4a: {  	_ =	shalt  }
0x4b: {  	_ =	shalt  }
0x4c: {  	_ =	shalt  }
0x4d: {  	_ =	shalt  }
0x4e: {  	_ =	shalt  }
0x4f: {  	_ =	shalt  }
0x50: {  	_ =	shalt  }
0x51: {  	_ =	shalt  }
0x52: {  	_ =	shalt  }
0x53: {  	_ =	shalt  }
0x54: {  	_ =	shalt  }
0x55: {  	_ =	shalt  }
0x56: {  	_ =	shalt  }
0x57: {  	_ =	shalt  }
0x58: {  	_ =	shalt  }
0x59: {  	_ =	shalt  }
0x5a: {  	_ =	shalt  }
0x5b: {  	_ =	shalt  }
0x5c: {  	_ =	shalt  }
0x5d: {  	_ =	shalt  }
0x5e: {  	_ =	shalt  }
0x5f: {  	_ =	shalt  }
0x60: {  	_ =	shalt  }
0x61: {  	_ =	shalt  }
0x62: {  	_ =	shalt  }
0x63: {  	_ =	shalt  }
0x64: {  	_ =	shalt  }
0x65: {  	_ =	shalt  }
0x66: {  	_ =	shalt  }
0x67: {  	_ =	shalt  }
0x68: {  	_ =	shalt  }
0x69: {  	_ =	shalt  }
0x6a: {  	_ =	shalt  }
0x6b: {  	_ =	shalt  }
0x6c: {  	_ =	shalt  }
0x6d: {  	_ =	shalt  }
0x6e: {  	_ =	shalt  }
0x6f: {  	_ =	shalt  }
0x70: {  	_ =	shalt  }
0x71: {  	_ =	shalt  }
0x72: {  	_ =	shalt  }
0x73: {  	_ =	shalt  }
0x74: {  	_ =	shalt  }
0x75: {  	_ =	shalt  }
0x76: {  	_ =	shalt  }
0x77: {  	_ =	shalt  }
0x78: {  	_ =	shalt  }
0x79: {  	_ =	shalt  }
0x7a: {  	_ =	shalt  }
0x7b: {  	_ =	shalt  }
0x7c: {  	_ =	shalt  }
0x7d: {  	_ =	shalt  }
0x7e: {  	_ =	shalt  }
0x7f: {  	_ =	shalt  }
0x80: {  	_ =	shalt  }
0x81: {  	_ =	shalt  }
0x82: {  	_ =	shalt  }
0x83: {  	_ =	shalt  }
0x84: {  	_ =	shalt  }
0x85: {  	_ =	shalt  }
0x86: {  	_ =	shalt  }
0x87: {  	_ =	shalt  }
.Lfunc_end0:
.L_simem_size_0:
called_computation_lowered:
.L_overlay_start_0:
0x88: {  	s2 =	sld [smem:$0x3FD9]  }
0x89: {  	s3 =	sld [smem:$0x3FFE];
	_ =	sdelay $0x1  }
0x8a: {  	s1 =	srdreg.scid  }
0x8b: {  	s0 =	sand.u32 $0x1, s1  }
0x8c: {  	s17 =	sshll.u32 s0, $0xA;
	s2 =	sadd.s32 s3, s2  }
0x8d: {  	s2 =	sadd.s32 s2, s17  }
0x8e: {  	[smem:$0x3FBE] =	sst s2  }
0x8f: {  	_ = 	snop  }
0x90: {  	s2 =	sld [smem:$0x3FD0];
	(tm) =	ssettm $0x1  }
0x91: {  	s18 =	sld [smem:$0x3FFB];
	_ =	sdelay $0x3  }
0x92: {  	_ =	strace s18  }
0x93: {  	s3 =	sld [smem:$0x3FFC];
	_ =	sdelay $0x3  }
0x94: {  	_ =	strace s3  }
0x95: {  	s3 =	sld [smem:$0x3FFD];
	_ =	sdelay $0x3  }
0x96: {  	_ =	strace s3  }
0x97: {  	_ =	strace $0x8FFFFFFF  }
0x98: {  	s19 =	sld [smem:$0x3FDB];
	_ =	sdelay $0x1  }
0x99: {  	s4 =	simm.s32 $_scs_section_size  }
0x9a: {  	s5 =	simm.s32 $_size__tile_overlayer_lowered;
	s6 =	simm.s32 $_tile_overlayer_lowered  }
0x9b: {  	s22 =	simm.s32 $0x1BFF;
	s21 =	sshll.u32 s6, $0x1;
	s3 =	sadd.s32 s4, s19  }
0x9c: {  	s7 =	simm.s32 $0x0;
	s20 =	sshll.u32 s5, $0x1;
	s5 =	sadd.s32 s21, s3  }
0x9d: {  	[timem:s7], [sflag:s22] =	dma.local [hbm:s5], s20  }
0x9e: {  	_ =	swait.ge [sflag:s22], s20  }
0x9f: {  	s4 =	ssub.s32 $0x0, s20;
	[sflag:s22] =	ssyncset.done $0x0  }
0xa0: {  	[sflag:s22] =	ssyncadd.s32 s4;
	_ =	sdelay $0x1  }
0xa1: {  	s23 =	simm.s32 $0x1B8B  }
0xa2: {  	_ =	swait.ge [sflag:s23], $0x1  }
0xa3: {  	[sflag:s23] =	ssyncset.done $0x0  }
0xa4: {  	s25 =	simm.s32 $0x1B8E;
	s24 =	sld [smem:$0x3FFE];
	[sflag:s23] =	ssyncadd.s32 $0xFFFFFFFF  }
0xa5: {  	s26 =	simm.s32 $execute0_lowered;
	[smem:$0x3FD2] =	sst s25  }
0xa6: {  	s5 =	sshll.u32 s26, $0x1;
	_ =	strace $0x80000046;
	[dreg:$0x1] =	wrdreg $0xFFFFFFFF  }
0xa7: {  	s28 =	simm.s32 $_size_execute0_lowered;
	s3 =	sadd.s32 s3, s5;
	[dreg:$0x0] =	wrdreg $0x0  }
0xa8: {  	s5 =	sshll.u32 s28, $0x1;
	[dreg:$0x2] =	wrdreg s3  }
0xa9: {  	[dreg:$0x3] =	wrdreg s5  }
0xaa: {  	[dreg:$0x4] =	wrdreg $0xC0  }
0xab: {  	_ =	task [dreg:s7], $0x5FFFF  }
0xac: {  	[dreg:$0x1] =	wrdreg $0xFFFFFFFF  }
0xad: {  	[dreg:$0x0] =	wrdreg $0x60  }
0xae: {  	[dreg:$0x2] =	wrdreg s24  }
0xaf: {  	[dreg:$0x3] =	wrdreg s2  }
0xb0: {  	[dreg:$0x4] =	wrdreg $0x9  }
0xb1: {  	_ =	task.clear_ibuf [dreg:s7], $0x5FFFF;
	_ =	strace $0x90000046  }
0xb2: {  	s29 =	simm.s32 $0x9;
	_ =	strace $0x80000048  }
0xb3: {  	_ =	swait.ge [sflag:s29], $0x1  }
0xb4: {  	[sflag:s29] =	ssyncadd.s32 $0xFFFFFFFF  }
0xb5: {  	_ =	strace $0x90000048  }
0xb6: {  	_ =	sfence  }
0xb7: {  	s30 =	sld [smem:$0x0];
	_ =	sdelay $0x2  }
0xb8: {  	s31 =	sshll.u32 s1, $0xD;
	s1 =	sshrl.u32 s1, $0x2  }
0xb9: {  	s3 =	sand.u32 $0x4000, s31;
	s1 =	sadd.s32 s1, s30  }
0xba: {  	s0 =	sor.u32 s3, s0;
	s1 =	sshll.u32 s1, $0x11  }
0xbb: {  	s0 =	sor.u32 s1, s0  }
0xbc: {  	s0 =	sadd.s32 $0x8F2B, s0  }
0xbd: {  	[sflag:s0] =	ssyncadd.remote.s32 $0x1  }
0xbe: {  	_ =	sfence.sel $0xFFFF  }
0xbf: {  	[dreg:$0x0] =	wrdreg $0xFFFFFFFF;
	(pc) =	sbr.abs _section_cstart, $3  }
0xc0: {  	[dreg:$0x1] =	wrdreg $0xFFFFFFFF  }
0xc1: {  	_ =	task.clear_ibuf [dreg:s7], $0x2FFFF;
	_ =	strace $0x9FFFFFFF  }
0xc2: {  	(tm) =	ssettm $0x7FFFFFFF  }
0xc3: {  	_ =	shalt  }
tec
execute0_lowered:
.L_overlay_start_1:
0x0: {  	(tag) =	ssettag $0x1  }
0x1: {  	s1 =	srdreg.scid  }
0x2: {  	s0 =	stileid.u32;
	s4 =	rddreg [dreg:$0x0]  }
0x3: {  	s6 =	rddreg [dreg:$0x1];
	s2 =	simm.s32 $0x0;
	s11 =	simm.s32 $0x1  }
0x4: {  	s12 =	simm.s32 $0x4E80;
	s13 =	simm.s32 $0x7600;
	s14 =	simm.s32 $0x9D80  }
0x5: {  	s15 =	simm.s32 $0xC500;
	s3 =	sand.u32 $0x1, s1;
	s30 =	sshll.u32 s0, $0x1  }
0x6: {  	s16 =	simm.s32 $0xEC80;
	s17 =	simm.s32 $0x11400;
	s5 =	sor.u32 s3, s30  }
0x7: {  	s1 =	rddreg [dreg:$0x2];
	s7 =	ssub.s32 $0x2, s3;
	s5 =	smul.u32 $0x2710, s5  }
0x8: {  	s18 =	simm.s32 $0x0;
	[smem:$0x7FF] =	sst s2;
	s31 =	sshrl.u32 s7, $0x1  }
0x9: {  	_ =	strace $0x80000047;
	s10 =	ssub.s32 s7, s31;
	s8 =	sshrl.u32 s5, $0x3  }
0xa: {  	s3 =	sadd.s32 $0x14800, s4;
	s10 =	smax.u32 s10, $0x1;
	s9 =	sadd.s32 s8, s4  }
0xb: {  	s6 =	sadd.s32 s6, s8;
	s4 =	sadd.s32 $0xC00, s9;
	s5 =	sadd.s32 $0xAA00, s9  }
0xc: {  	s7 =	sadd.s32 $0x9C40, s6;
	s8 =	sadd.s32 $0x13880, s6;
	s9 =	sadd.s32 $0x1D4C0, s6  }
.LBB2_1:
0xd: {  	[tilespmem:s2], [sflag:$0x1] =	stream.linear.gather [hbm4b:s3+s2], $0x4E80, $0x38;
	[tilespmem:$0x13B80] =	vst v63  }
0xe: {  	_ =	swait.ge [sflag:s11], $0x4E80  }
0xf: {  	[sflag:s11] =	ssyncset.done $0x0  }
0x10: {  	[sflag:s11] =	ssyncadd.s32 $0xFFFFB180  }
0x11: {  	[tilespmem:s12], [sflag:$0x1] =	stream.linear.gather [hbm4b:s4+s2], $0x2710, $0x38;
	[tilespmem:$0x13B80] =	vst v63  }
0x12: {  	_ =	swait.ge [sflag:s11], $0x2710  }
0x13: {  	[sflag:s11] =	ssyncset.done $0x0  }
0x14: {  	[sflag:s11] =	ssyncadd.s32 $0xFFFFD8F0  }
0x15: {  	[tilespmem:s13], [sflag:$0x1] =	stream.linear.gather [hbm4b:s5+s2], $0x2710, $0x38;
	[tilespmem:$0x13B80] =	vst v63  }
0x16: {  	_ =	swait.ge [sflag:s11], $0x2710  }
0x17: {  	[sflag:s11] =	ssyncset.done $0x0  }
0x18: {  	s19 =	simm.s32 $0x0;
	[sflag:s11] =	ssyncadd.s32 $0xFFFFD8F0  }
0x19: {  	v0 =	vld [tilespmem:s19+$0x4E80];
	_ =	sdelay $0x4  }
0x1a: {  	v0 =	vshll.u32 v0, $0x1;
	_ =	sdelay $0x4  }
0x1b: {  	v1 =	vld.idx.msk [tilespmem:v0+s2+$0x0], $0xffff  }
0x1c: {  	v0 =	vor.u32 $0x1, v0  }
0x1d: {  	v2 =	vld [tilespmem:s19+$0x7600];
	_ =	sdelay $0x2  }
0x1e: {  	[tilespmem:s19+$0x9D80] =	vst v1  }
0x1f: {  	v0 =	vld.idx.msk [tilespmem:v0+s2+$0x0], $0xffff  }
0x20: {  	v1 =	vshll.u32 v2, $0x1;
	_ =	sdelay $0x3  }
0x21: {  	[tilespmem:s19+$0xC500] =	vst v0  }
0x22: {  	v0 =	vld.idx.msk [tilespmem:v1+s2+$0x0], $0xffff  }
0x23: {  	v1 =	vor.u32 $0x1, v1  }
0x24: {  	v2 =	vld [tilespmem:s19+$0x4E90];
	_ =	sdelay $0x2  }
0x25: {  	[tilespmem:s19+$0xEC80] =	vst v0  }
0x26: {  	v0 =	vld.idx.msk [tilespmem:v1+s2+$0x0], $0xffff  }
0x27: {  	v1 =	vshll.u32 v2, $0x1;
	_ =	sdelay $0x3  }
0x28: {  	[tilespmem:s19+$0x11400] =	vst v0  }
0x29: {  	v0 =	vld.idx.msk [tilespmem:v1+s2+$0x0], $0xffff  }
0x2a: {  	v1 =	vor.u32 $0x1, v1  }
0x2b: {  	v2 =	vld [tilespmem:s19+$0x7610];
	_ =	sdelay $0x2  }
0x2c: {  	[tilespmem:s19+$0x9D90] =	vst v0  }
0x2d: {  	v0 =	vld.idx.msk [tilespmem:v1+s2+$0x0], $0xffff  }
0x2e: {  	v1 =	vshll.u32 v2, $0x1;
	_ =	sdelay $0x3  }
0x2f: {  	[tilespmem:s19+$0xC510] =	vst v0  }
0x30: {  	v0 =	vld.idx.msk [tilespmem:v1+s2+$0x0], $0xffff  }
0x31: {  	v1 =	vor.u32 $0x1, v1  }
0x32: {  	v2 =	vld [tilespmem:s19+$0x4EA0];
	_ =	sdelay $0x2  }
0x33: {  	[tilespmem:s19+$0xEC90] =	vst v0  }
0x34: {  	v0 =	vld.idx.msk [tilespmem:v1+s2+$0x0], $0xffff  }
0x35: {  	v1 =	vshll.u32 v2, $0x1;
	_ =	sdelay $0x3  }
0x36: {  	[tilespmem:s19+$0x11410] =	vst v0  }
0x37: {  	v0 =	vld.idx.msk [tilespmem:v1+s2+$0x0], $0xffff  }
0x38: {  	v1 =	vor.u32 $0x1, v1  }
0x39: {  	v2 =	vld [tilespmem:s19+$0x7620];
	_ =	sdelay $0x2  }
0x3a: {  	[tilespmem:s19+$0x9DA0] =	vst v0  }
0x3b: {  	v0 =	vld.idx.msk [tilespmem:v1+s2+$0x0], $0xffff  }
0x3c: {  	v1 =	vshll.u32 v2, $0x1;
	_ =	sdelay $0x3  }
0x3d: {  	[tilespmem:s19+$0xC520] =	vst v0  }
0x3e: {  	v0 =	vld.idx.msk [tilespmem:v1+s2+$0x0], $0xffff  }
0x3f: {  	v1 =	vor.u32 $0x1, v1  }
0x40: {  	v2 =	vld [tilespmem:s19+$0x4EB0];
	_ =	sdelay $0x2  }
0x41: {  	[tilespmem:s19+$0xECA0] =	vst v0  }
0x42: {  	v0 =	vld.idx.msk [tilespmem:v1+s2+$0x0], $0xffff  }
0x43: {  	v1 =	vshll.u32 v2, $0x1;
	_ =	sdelay $0x3  }
0x44: {  	[tilespmem:s19+$0x11420] =	vst v0  }
0x45: {  	v0 =	vld.idx.msk [tilespmem:v1+s2+$0x0], $0xffff  }
0x46: {  	v1 =	vor.u32 $0x1, v1  }
0x47: {  	v2 =	vld [tilespmem:s19+$0x7630];
	_ =	sdelay $0x2  }
0x48: {  	[tilespmem:s19+$0x9DB0] =	vst v0  }
0x49: {  	v0 =	vld.idx.msk [tilespmem:v1+s2+$0x0], $0xffff  }
0x4a: {  	v1 =	vshll.u32 v2, $0x1;
	_ =	sdelay $0x3  }
0x4b: {  	[tilespmem:s19+$0xC530] =	vst v0  }
0x4c: {  	v0 =	vld.idx.msk [tilespmem:v1+s2+$0x0], $0xffff  }
0x4d: {  	v1 =	vor.u32 $0x1, v1  }
0x4e: {  	v2 =	vld [tilespmem:s19+$0x4EC0];
	_ =	sdelay $0x2  }
0x4f: {  	[tilespmem:s19+$0xECB0] =	vst v0  }
0x50: {  	v0 =	vld.idx.msk [tilespmem:v1+s2+$0x0], $0xffff  }
0x51: {  	v1 =	vshll.u32 v2, $0x1;
	_ =	sdelay $0x3  }
0x52: {  	[tilespmem:s19+$0x11430] =	vst v0  }
0x53: {  	v0 =	vld.idx.msk [tilespmem:v1+s2+$0x0], $0xffff  }
0x54: {  	v1 =	vor.u32 $0x1, v1  }
0x55: {  	v2 =	vld [tilespmem:s19+$0x7640];
	_ =	sdelay $0x2  }
0x56: {  	[tilespmem:s19+$0x9DC0] =	vst v0  }
0x57: {  	v0 =	vld.idx.msk [tilespmem:v1+s2+$0x0], $0xffff  }
0x58: {  	v1 =	vshll.u32 v2, $0x1;
	_ =	sdelay $0x3  }
0x59: {  	[tilespmem:s19+$0xC540] =	vst v0  }
0x5a: {  	v0 =	vld.idx.msk [tilespmem:v1+s2+$0x0], $0xffff  }
0x5b: {  	v1 =	vor.u32 $0x1, v1  }
0x5c: {  	s21 =	simm.s32 $0x50;
	s20 =	simm.s32 $0x280  }
.LBB2_2:
0x5d: {  	p0 =	sne.s32 s20, $0x9B00;
	v2 =	vld [tilespmem:s21+$0x4E80];
	_ =	sdelay $0x1  }
0x5e: {  	[tilespmem:s19+$0xECC0] =	vst v0  }
0x5f: {  	v0 =	vld.idx.msk [tilespmem:v1+s2+$0x0], $0xffff;
	_ =	sdelay $0x1  }
0x60: {  	v1 =	vshll.u32 v2, $0x1;
	_ =	sdelay $0x3  }
0x61: {  	[tilespmem:s19+$0x11440] =	vst v0;
	s19 =	smov.u32 s21  }
0x62: {  	v0 =	vld.idx.msk [tilespmem:v1+s2+$0x0], $0xffff;
	_ =	sdelay $0x1  }
0x63: {  	v1 =	vor.u32 $0x1, v1;
	_ =	sdelay $0x1  }
0x64: {  	v2 =	vld [tilespmem:s19+$0x7600];
	_ =	sdelay $0x1  }
0x65: {  	[tilespmem:s19+$0x9D80] =	vst v0  }
0x66: {  	v0 =	vld.idx.msk [tilespmem:v1+s2+$0x0], $0xffff;
	_ =	sdelay $0x1  }
0x67: {  	v1 =	vshll.u32 v2, $0x1;
	_ =	sdelay $0x3  }
0x68: {  	[tilespmem:s19+$0xC500] =	vst v0  }
0x69: {  	v0 =	vld.idx.msk [tilespmem:v1+s2+$0x0], $0xffff;
	_ =	sdelay $0x1  }
0x6a: {  	v1 =	vor.u32 $0x1, v1;
	_ =	sdelay $0x1  }
0x6b: {  	v2 =	vld [tilespmem:s19+$0x4E90];
	_ =	sdelay $0x1  }
0x6c: {  	[tilespmem:s19+$0xEC80] =	vst v0  }
0x6d: {  	v0 =	vld.idx.msk [tilespmem:v1+s2+$0x0], $0xffff;
	_ =	sdelay $0x1  }
0x6e: {  	v1 =	vshll.u32 v2, $0x1;
	_ =	sdelay $0x3  }
0x6f: {  	[tilespmem:s19+$0x11400] =	vst v0  }
0x70: {  	v0 =	vld.idx.msk [tilespmem:v1+s2+$0x0], $0xffff;
	_ =	sdelay $0x1  }
0x71: {  	v1 =	vor.u32 $0x1, v1;
	_ =	sdelay $0x1  }
0x72: {  	v2 =	vld [tilespmem:s19+$0x7610];
	_ =	sdelay $0x1  }
0x73: {  	[tilespmem:s19+$0x9D90] =	vst v0  }
0x74: {  	v0 =	vld.idx.msk [tilespmem:v1+s2+$0x0], $0xffff;
	_ =	sdelay $0x1  }
0x75: {  	v1 =	vshll.u32 v2, $0x1;
	_ =	sdelay $0x3  }
0x76: {  	[tilespmem:s19+$0xC510] =	vst v0  }
0x77: {  	v0 =	vld.idx.msk [tilespmem:v1+s2+$0x0], $0xffff;
	_ =	sdelay $0x1  }
0x78: {  	v1 =	vor.u32 $0x1, v1;
	_ =	sdelay $0x1  }
0x79: {  	v2 =	vld [tilespmem:s19+$0x4EA0];
	_ =	sdelay $0x1  }
0x7a: {  	[tilespmem:s19+$0xEC90] =	vst v0  }
0x7b: {  	v0 =	vld.idx.msk [tilespmem:v1+s2+$0x0], $0xffff;
	_ =	sdelay $0x1  }
0x7c: {  	v1 =	vshll.u32 v2, $0x1;
	_ =	sdelay $0x3  }
0x7d: {  	[tilespmem:s19+$0x11410] =	vst v0  }
0x7e: {  	v0 =	vld.idx.msk [tilespmem:v1+s2+$0x0], $0xffff;
	_ =	sdelay $0x1  }
0x7f: {  	v1 =	vor.u32 $0x1, v1;
	_ =	sdelay $0x1  }
0x80: {  	v2 =	vld [tilespmem:s19+$0x7620];
	_ =	sdelay $0x1  }
0x81: {  	[tilespmem:s19+$0x9DA0] =	vst v0  }
0x82: {  	v0 =	vld.idx.msk [tilespmem:v1+s2+$0x0], $0xffff;
	_ =	sdelay $0x1  }
0x83: {  	v1 =	vshll.u32 v2, $0x1;
	_ =	sdelay $0x3  }
0x84: {  	[tilespmem:s19+$0xC520] =	vst v0  }
0x85: {  	v0 =	vld.idx.msk [tilespmem:v1+s2+$0x0], $0xffff;
	_ =	sdelay $0x1  }
0x86: {  	v1 =	vor.u32 $0x1, v1;
	_ =	sdelay $0x1  }
0x87: {  	v2 =	vld [tilespmem:s19+$0x4EB0];
	_ =	sdelay $0x1  }
0x88: {  	[tilespmem:s19+$0xECA0] =	vst v0  }
0x89: {  	v0 =	vld.idx.msk [tilespmem:v1+s2+$0x0], $0xffff;
	_ =	sdelay $0x1  }
0x8a: {  	v1 =	vshll.u32 v2, $0x1;
	_ =	sdelay $0x3  }
0x8b: {  	[tilespmem:s19+$0x11420] =	vst v0  }
0x8c: {  	v0 =	vld.idx.msk [tilespmem:v1+s2+$0x0], $0xffff;
	_ =	sdelay $0x1  }
0x8d: {  	v1 =	vor.u32 $0x1, v1;
	_ =	sdelay $0x1  }
0x8e: {  	v2 =	vld [tilespmem:s19+$0x7630];
	_ =	sdelay $0x1  }
0x8f: {  	[tilespmem:s19+$0x9DB0] =	vst v0  }
0x90: {  	v0 =	vld.idx.msk [tilespmem:v1+s2+$0x0], $0xffff;
	_ =	sdelay $0x1  }
0x91: {  	v1 =	vshll.u32 v2, $0x1;
	_ =	sdelay $0x3  }
0x92: {  	[tilespmem:s19+$0xC530] =	vst v0  }
0x93: {  	v0 =	vld.idx.msk [tilespmem:v1+s2+$0x0], $0xffff;
	_ =	sdelay $0x1  }
0x94: {  	v1 =	vor.u32 $0x1, v1;
	_ =	sdelay $0x1  }
0x95: {  	v2 =	vld [tilespmem:s19+$0x4EC0];
	_ =	sdelay $0x1  }
0x96: {  	[tilespmem:s19+$0xECB0] =	vst v0  }
0x97: {  	v0 =	vld.idx.msk [tilespmem:v1+s2+$0x0], $0xffff;
	_ =	sdelay $0x1  }
0x98: {  	v1 =	vshll.u32 v2, $0x1;
	_ =	sdelay $0x3  }
0x99: {  	[tilespmem:s19+$0x11430] =	vst v0  }
0x9a: {  	v0 =	vld.idx.msk [tilespmem:v1+s2+$0x0], $0xffff;
	_ =	sdelay $0x1  }
0x9b: {  	v1 =	vor.u32 $0x1, v1;
	_ =	sdelay $0x1  }
0x9c: {  	v2 =	vld [tilespmem:s19+$0x7640];
	_ =	sdelay $0x1  }
0x9d: {  	[tilespmem:s19+$0x9DC0] =	vst v0  }
0x9e: {  	v0 =	vld.idx.msk [tilespmem:v1+s2+$0x0], $0xffff;
	_ =	sdelay $0x1  }
0x9f: {  	v1 =	vshll.u32 v2, $0x1;
	_ =	sdelay $0x3  }
.Ltmp0:
0xa0: {  	[tilespmem:s19+$0xC540] =	vst v0;
	(pc) =	sbr.rel @p0 .LBB2_2-.Ltmp0, $3  }
0xa1: {  	v0 =	vld.idx.msk [tilespmem:v1+s2+$0x0], $0xffff;
	_ =	sdelay $0x1  }
0xa2: {  	v1 =	vor.u32 $0x1, v1  }
0xa3: {  	s21 =	sshra.s32 s20, $0x2;
	s20 =	sadd.s32 $0x140, s20  }
0xa4: {  	v2 =	vld [tilespmem:s21+$0x4E80];
	_ =	sdelay $0x2  }
0xa5: {  	[tilespmem:s19+$0xECC0] =	vst v0  }
0xa6: {  	v0 =	vld.idx.msk [tilespmem:v1+s2+$0x0], $0xffff  }
0xa7: {  	v45 =	vshll.u32 v2, $0x1;
	_ =	sdelay $0x3  }
0xa8: {  	[tilespmem:s19+$0x11440] =	vst v0  }
0xa9: {  	v0 =	vld.idx.msk [tilespmem:v45+s2+$0x0], $0xffff  }
0xaa: {  	v1 =	vor.u32 $0x1, v45  }
0xab: {  	v46 =	vld [tilespmem:s21+$0x7600];
	_ =	sdelay $0x2  }
0xac: {  	[tilespmem:s21+$0x9D80] =	vst v0  }
0xad: {  	v0 =	vld.idx.msk [tilespmem:v1+s2+$0x0], $0xffff  }
0xae: {  	v47 =	vshll.u32 v46, $0x1;
	_ =	sdelay $0x3  }
0xaf: {  	[tilespmem:s21+$0xC500] =	vst v0  }
0xb0: {  	v0 =	vld.idx.msk [tilespmem:v47+s2+$0x0], $0xffff  }
0xb1: {  	v1 =	vor.u32 $0x1, v47  }
0xb2: {  	v48 =	vld [tilespmem:s21+$0x4E90];
	_ =	sdelay $0x2  }
0xb3: {  	[tilespmem:s21+$0xEC80] =	vst v0  }
0xb4: {  	v0 =	vld.idx.msk [tilespmem:v1+s2+$0x0], $0xffff  }
0xb5: {  	v49 =	vshll.u32 v48, $0x1;
	_ =	sdelay $0x3  }
0xb6: {  	[tilespmem:s21+$0x11400] =	vst v0  }
0xb7: {  	v0 =	vld.idx.msk [tilespmem:v49+s2+$0x0], $0xffff  }
0xb8: {  	v1 =	vor.u32 $0x1, v49  }
0xb9: {  	v50 =	vld [tilespmem:s21+$0x7610];
	_ =	sdelay $0x2  }
0xba: {  	[tilespmem:s21+$0x9D90] =	vst v0  }
0xbb: {  	v0 =	vld.idx.msk [tilespmem:v1+s2+$0x0], $0xffff  }
0xbc: {  	v51 =	vshll.u32 v50, $0x1;
	_ =	sdelay $0x3  }
0xbd: {  	[tilespmem:s21+$0xC510] =	vst v0  }
0xbe: {  	v0 =	vld.idx.msk [tilespmem:v51+s2+$0x0], $0xffff  }
0xbf: {  	v1 =	vor.u32 $0x1, v51  }
0xc0: {  	v52 =	vld [tilespmem:s21+$0x4EA0];
	_ =	sdelay $0x2  }
0xc1: {  	[tilespmem:s21+$0xEC90] =	vst v0  }
0xc2: {  	v0 =	vld.idx.msk [tilespmem:v1+s2+$0x0], $0xffff  }
0xc3: {  	v53 =	vshll.u32 v52, $0x1;
	_ =	sdelay $0x3  }
0xc4: {  	[tilespmem:s21+$0x11410] =	vst v0  }
0xc5: {  	v0 =	vld.idx.msk [tilespmem:v53+s2+$0x0], $0xffff  }
0xc6: {  	v1 =	vor.u32 $0x1, v53  }
0xc7: {  	v54 =	vld [tilespmem:s21+$0x7620];
	_ =	sdelay $0x2  }
0xc8: {  	[tilespmem:s21+$0x9DA0] =	vst v0  }
0xc9: {  	v0 =	vld.idx.msk [tilespmem:v1+s2+$0x0], $0xffff  }
0xca: {  	v55 =	vshll.u32 v54, $0x1;
	_ =	sdelay $0x3  }
0xcb: {  	[tilespmem:s21+$0xC520] =	vst v0  }
0xcc: {  	v0 =	vld.idx.msk [tilespmem:v55+s2+$0x0], $0xffff  }
0xcd: {  	v1 =	vor.u32 $0x1, v55  }
0xce: {  	v56 =	vld [tilespmem:s21+$0x4EB0];
	_ =	sdelay $0x2  }
0xcf: {  	[tilespmem:s21+$0xECA0] =	vst v0  }
0xd0: {  	v0 =	vld.idx.msk [tilespmem:v1+s2+$0x0], $0xffff  }
0xd1: {  	v57 =	vshll.u32 v56, $0x1;
	_ =	sdelay $0x3  }
0xd2: {  	[tilespmem:s21+$0x11420] =	vst v0  }
0xd3: {  	v0 =	vld.idx.msk [tilespmem:v57+s2+$0x0], $0xffff  }
0xd4: {  	v1 =	vor.u32 $0x1, v57  }
0xd5: {  	v58 =	vld [tilespmem:s21+$0x7630];
	_ =	sdelay $0x2  }
0xd6: {  	[tilespmem:s21+$0x9DB0] =	vst v0  }
0xd7: {  	v0 =	vld.idx.msk [tilespmem:v1+s2+$0x0], $0xffff  }
0xd8: {  	v59 =	vshll.u32 v58, $0x1;
	_ =	sdelay $0x3  }
0xd9: {  	[tilespmem:s21+$0xC530] =	vst v0  }
0xda: {  	v0 =	vld.idx.msk [tilespmem:v59+s2+$0x0], $0xffff  }
0xdb: {  	v1 =	vor.u32 $0x1, v59  }
0xdc: {  	v60 =	vld [tilespmem:s21+$0x4EC0];
	_ =	sdelay $0x2  }
0xdd: {  	[tilespmem:s21+$0xECB0] =	vst v0  }
0xde: {  	v0 =	vld.idx.msk [tilespmem:v1+s2+$0x0], $0xffff  }
0xdf: {  	v61 =	vshll.u32 v60, $0x1;
	_ =	sdelay $0x3  }
0xe0: {  	[tilespmem:s21+$0x11430] =	vst v0  }
0xe1: {  	v0 =	vld.idx.msk [tilespmem:v61+s2+$0x0], $0xffff  }
0xe2: {  	v1 =	vor.u32 $0x1, v61  }
0xe3: {  	v62 =	vld [tilespmem:s21+$0x7640];
	_ =	sdelay $0x2  }
0xe4: {  	[tilespmem:s21+$0x9DC0] =	vst v0  }
0xe5: {  	v0 =	vld.idx.msk [tilespmem:v1+s2+$0x0], $0xffff  }
0xe6: {  	v63 =	vshll.u32 v62, $0x1;
	_ =	sdelay $0x3  }
0xe7: {  	[tilespmem:s21+$0xC540] =	vst v0  }
0xe8: {  	v0 =	vld.idx.msk [tilespmem:v63+s2+$0x0], $0xffff  }
0xe9: {  	v1 =	vor.u32 $0x1, v63;
	_ =	sdelay $0x3  }
0xea: {  	[tilespmem:s21+$0xECC0] =	vst v0  }
0xeb: {  	v0 =	vld.idx.msk [tilespmem:v1+s2+$0x0], $0xffff;
	_ =	sdelay $0x4  }
0xec: {  	[tilespmem:s21+$0x11440] =	vst v0  }
0xed: {  	[hbm4b:s6+s2] =	stream.linear.scatter [tilespmem:s14], [sflag:$0x1], $0x2710, $0x38;
	[tilespmem:$0x13B80] =	vst v63  }
0xee: {  	_ =	swait.ge [sflag:s11], $0x2710  }
0xef: {  	[sflag:s11] =	ssyncset.done $0x0  }
0xf0: {  	[sflag:s11] =	ssyncadd.s32 $0xFFFFD8F0  }
0xf1: {  	[hbm4b:s7+s2] =	stream.linear.scatter [tilespmem:s15], [sflag:$0x1], $0x2710, $0x38;
	[tilespmem:$0x13B80] =	vst v63  }
0xf2: {  	_ =	swait.ge [sflag:s11], $0x2710  }
0xf3: {  	[sflag:s11] =	ssyncset.done $0x0  }
0xf4: {  	[sflag:s11] =	ssyncadd.s32 $0xFFFFD8F0  }
0xf5: {  	[hbm4b:s8+s2] =	stream.linear.scatter [tilespmem:s16], [sflag:$0x1], $0x2710, $0x38;
	[tilespmem:$0x13B80] =	vst v63  }
0xf6: {  	s18 =	sadd.s32 $0x1, s18;
	_ =	swait.ge [sflag:s11], $0x2710  }
0xf7: {  	p0 =	sne.s32 s18, s10;
	[sflag:s11] =	ssyncset.done $0x0  }
.Ltmp1:
0xf8: {  	[sflag:s11] =	ssyncadd.s32 $0xFFFFD8F0;
	(pc) =	sbr.rel @p0 .LBB2_1-.Ltmp1, $4  }
0xf9: {  	[hbm4b:s9+s2] =	stream.linear.scatter [tilespmem:s17], [sflag:$0x1], $0x2710, $0x38;
	[tilespmem:$0x13B80] =	vst v63  }
0xfa: {  	_ =	swait.ge [sflag:s11], $0x2710  }
0xfb: {  	[sflag:s11] =	ssyncset.done $0x0  }
0xfc: {  	[sflag:s11] =	ssyncadd.s32 $0xFFFFD8F0  }
0xfd: {  	_ =	sfence.sel $0x180000  }
0xfe: {  	[bflag:$0x0] =	sbarrier.arrive $0xFFFF  }
0xff: {  	p0 =	sne.s32 s0, $0x0;
	_ =	strace $0x90000047  }
0x100: {  	s0 =	sadd.s32 @!p0 $0x100000, s1;
	[bflag:$0x2] =	sbarrier.arrive $0xFFFF  }
0x101: {  	[sflag:s0] =	ssyncadd.tile.s32 @!p0 $0x1;
	_ =	shalt  }
.Lfunc_end2:
_tile_overlayer_lowered:
.L_overlay_start_2:
0x102: {  	(tag) =	ssettag $0x2  }
0x103: {  	s0 =	rddreg [dreg:$0x0];
	s2 =	stileid.u32  }
0x104: {  	s1 =	rddreg [dreg:$0x1];
	p0 =	sne.s32 s2, $0x0  }
0x105: {  	s3 =	rddreg [dreg:$0x2];
	[bflag:$0x3] =	sbarrier.arrive $0xFFFF;
	s2 =	simm.s32 @!p0 $0x1C01  }
0x106: {  	[timem:s3], [sflag:s2] =	dma.local @!p0 [hbm:s0], s1  }
0x107: {  	s0 =	simm.s32 @!p0 $0x1  }
0x108: {  	_ =	swait.ge @!p0 [sflag:s0], s1  }
0x109: {  	s1 =	ssub.s32 @!p0 $0x0, s1;
	[sflag:s0] =	ssyncset.done @!p0 $0x0  }
0x10a: {  	[sflag:s0] =	ssyncadd.s32 @!p0 s1  }
0x10b: {  	[bflag:$0x3] =	sbarrier.arrive $0xFFFF  }
0x10c: {  	_ =	shalt  }

// kernel: kernel.9.cloned.1.call-start
scs
__scs_entry_jumppad:
0x0: {  	(pc) =	sbr.rel $0x88, $3  }
0x1: {  	(tag) =	ssettag $0x0;
	lr =	simm.s32 $0x1  }
0x2: {  	[smem:$0x3F97] =	sst lr;
	_ =	strace $0xD0000000  }
0x3: {  	_ = 	snop  }
0x4: {  	_ = 	snop  }
0x5: {  	_ = 	snop  }
0x6: {  	_ = 	snop  }
0x7: {  	_ = 	snop  }
__scs_overlays_trampoline_lowered:
0x8: {  	[smem:$0x3FA6] =	sst s0  }
0x9: {  	[smem:$0x3FA7] =	sst s1  }
0xa: {  	[smem:$0x3FA8] =	sst s2  }
0xb: {  	[smem:$0x3FA9] =	sst s3  }
0xc: {  	[smem:$0x3FAA] =	sst s4  }
0xd: {  	[smem:$0x3FAB] =	sst s5  }
0xe: {  	[smem:$0x3FAC] =	sst s6  }
0xf: {  	[smem:$0x3FAD] =	sst s7  }
0x10: {  	[smem:$0x3FAE] =	sst s8  }
0x11: {  	[smem:$0x3FAF] =	sst s9;
	s0 =	simm.s32 @!p0 $0x0  }
0x12: {  	s1 =	sld [smem:$0x3F95];
	s0 =	simm.s32 @p0 $0x1  }
0x13: {  	[smem:$0x3FB0] =	sst s0;
	s0 =	simm.s32 @!p1 $0x0  }
0x14: {  	s2 =	sld [smem:$0x3F94];
	s0 =	simm.s32 @p1 $0x1  }
0x15: {  	[smem:$0x3FB1] =	sst s0;
	s0 =	simm.s32 @!p2 $0x0  }
0x16: {  	s3 =	sld [smem:$0x3FDB];
	s0 =	simm.s32 @p2 $0x1  }
0x17: {  	s4 =	simm.s32 $0x1BF5;
	[smem:$0x3FB3] =	sst s0  }
0x18: {  	s0 =	sld [smem:$0x3F96];
	_ =	swait.ge [sflag:s4], $0x0  }
0x19: {  	s7 =	sld [smem:$0x3F97]  }
0x1a: {  	s8 =	sadd.s32 $0xFFFFE003, lr  }
0x1b: {  	s9 =	sadd.s32 $0xFFFFFEF7, lr;
	s5 =	simm.s32 $0xFFFFFFFF;
	p2 =	slt.u32 s8, $0xFFFFF086  }
0x1c: {  	p1 =	slt.u32 s9, $0xF7A;
	s5 =	simm.s32 @!p2 $0x0  }
0x1d: {  	s5 =	simm.s32 @p1 $0x1;
	p0 =	seq.s32 s7, s2  }
0x1e: {  	s7 =	smul.u32 @!p0 $0xF7A, s2;
	p2 =	seq.s32 @!p0 s5, $0x0  }
0x1f: {  	s9 =	smul.u32 $0xF7A, s1;
	s8 =	simm.s32 @!p0 $0x1BF5;
	p2 =	por !p2, p0  }
0x20: {  	[sflag:s8] =	ssyncset.s32 @!p0 $0xFFFFF086;
	s6 =	sadd.s32 @!p0 s3, s7;
	s7 =	simm.s32 @!p0 $0x108  }
0x21: {  	s3 =	sadd.s32 s3, s9;
	s6 =	sadd.s32 @!p0 $0x88, s6;
	s7 =	simm.s32 @p2 $0x1082  }
0x22: {  	[simem:s7], [sflag:s8] =	dma.local @!p0 [hbm:s6], $0xF7A  }
0x23: {  	s9 =	sor.u32 $0xD0000000, s2;
	s6 =	simm.s32 $0x108;
	_ =	swait.ge @!p0 [sflag:s8], $0x0  }
0x24: {  	s3 =	sadd.s32 $0x88, s3;
	s6 =	simm.s32 @!p1 $0x1082;
	[sflag:s4] =	ssyncset.s32 $0xFFFFF086  }
0x25: {  	[simem:s6], [sflag:s4] =	dma.local [hbm:s3], $0xF7A  }
0x26: {  	[smem:$0x3F97] =	sst s1;
	(tag) =	ssettag s2;
	_ =	strace s9  }
0x27: {  	s1 =	sld [smem:$0x3FA7]  }
0x28: {  	s2 =	sld [smem:$0x3FA8]  }
0x29: {  	s4 =	sld [smem:$0x3FAA]  }
0x2a: {  	p0 =	seq.s32 s5, $0x0;
	s5 =	sld [smem:$0x3FAB]  }
0x2b: {  	s6 =	sld [smem:$0x3FAC]  }
0x2c: {  	s7 =	sld [smem:$0x3FAD]  }
0x2d: {  	s3 =	simm.s32 $0x108;
	s8 =	sld [smem:$0x3FAE]  }
0x2e: {  	s3 =	simm.s32 @!p0 $0x1082;
	s9 =	sld [smem:$0x3FAF]  }
0x2f: {  	lr =	sadd.s32 s0, s3;
	s0 =	sld [smem:$0x3FA6]  }
0x30: {  	s3 =	sld [smem:$0x3FA9]  }
0x31: {  	[smem:$0x3FB2] =	sst s10  }
0x32: {  	s10 =	sld [smem:$0x3FB0];
	_ =	sdelay $0x3  }
0x33: {  	p0 =	seq.s32 s10, $0x1;
	s10 =	sld [smem:$0x3FB2];
	_ =	sdelay $0x3  }
0x34: {  	[smem:$0x3FB2] =	sst s10  }
0x35: {  	s10 =	sld [smem:$0x3FB1];
	_ =	sdelay $0x3  }
0x36: {  	p1 =	seq.s32 s10, $0x1;
	s10 =	sld [smem:$0x3FB2];
	_ =	sdelay $0x3  }
0x37: {  	[smem:$0x3FB2] =	sst s10  }
0x38: {  	s10 =	sld [smem:$0x3FB3]  }
0x39: {  	_ = 	snop;
	(pc) =	sbr.ind lr, $3  }
0x3a: {  	_ = 	snop  }
0x3b: {  	_ = 	snop  }
0x3c: {  	p2 =	seq.s32 s10, $0x1;
	s10 =	sld [smem:$0x3FB2]  }
0x3d: {  	_ =	shalt  }
0x3e: {  	_ =	shalt  }
0x3f: {  	_ =	shalt  }
0x40: {  	_ =	shalt  }
0x41: {  	_ =	shalt  }
0x42: {  	_ =	shalt  }
0x43: {  	_ =	shalt  }
0x44: {  	_ =	shalt  }
0x45: {  	_ =	shalt  }
0x46: {  	_ =	shalt  }
0x47: {  	_ =	shalt  }
0x48: {  	_ =	shalt  }
0x49: {  	_ =	shalt  }
0x4a: {  	_ =	shalt  }
0x4b: {  	_ =	shalt  }
0x4c: {  	_ =	shalt  }
0x4d: {  	_ =	shalt  }
0x4e: {  	_ =	shalt  }
0x4f: {  	_ =	shalt  }
0x50: {  	_ =	shalt  }
0x51: {  	_ =	shalt  }
0x52: {  	_ =	shalt  }
0x53: {  	_ =	shalt  }
0x54: {  	_ =	shalt  }
0x55: {  	_ =	shalt  }
0x56: {  	_ =	shalt  }
0x57: {  	_ =	shalt  }
0x58: {  	_ =	shalt  }
0x59: {  	_ =	shalt  }
0x5a: {  	_ =	shalt  }
0x5b: {  	_ =	shalt  }
0x5c: {  	_ =	shalt  }
0x5d: {  	_ =	shalt  }
0x5e: {  	_ =	shalt  }
0x5f: {  	_ =	shalt  }
0x60: {  	_ =	shalt  }
0x61: {  	_ =	shalt  }
0x62: {  	_ =	shalt  }
0x63: {  	_ =	shalt  }
0x64: {  	_ =	shalt  }
0x65: {  	_ =	shalt  }
0x66: {  	_ =	shalt  }
0x67: {  	_ =	shalt  }
0x68: {  	_ =	shalt  }
0x69: {  	_ =	shalt  }
0x6a: {  	_ =	shalt  }
0x6b: {  	_ =	shalt  }
0x6c: {  	_ =	shalt  }
0x6d: {  	_ =	shalt  }
0x6e: {  	_ =	shalt  }
0x6f: {  	_ =	shalt  }
0x70: {  	_ =	shalt  }
0x71: {  	_ =	shalt  }
0x72: {  	_ =	shalt  }
0x73: {  	_ =	shalt  }
0x74: {  	_ =	shalt  }
0x75: {  	_ =	shalt  }
0x76: {  	_ =	shalt  }
0x77: {  	_ =	shalt  }
0x78: {  	_ =	shalt  }
0x79: {  	_ =	shalt  }
0x7a: {  	_ =	shalt  }
0x7b: {  	_ =	shalt  }
0x7c: {  	_ =	shalt  }
0x7d: {  	_ =	shalt  }
0x7e: {  	_ =	shalt  }
0x7f: {  	_ =	shalt  }
0x80: {  	_ =	shalt  }
0x81: {  	_ =	shalt  }
0x82: {  	_ =	shalt  }
0x83: {  	_ =	shalt  }
0x84: {  	_ =	shalt  }
0x85: {  	_ =	shalt  }
0x86: {  	_ =	shalt  }
0x87: {  	_ =	shalt  }
.Lfunc_end0:
.L_simem_size_0:
called_computation.1_lowered:
.L_overlay_start_0:
0x88: {  	s2 =	sld [smem:$0x3FD9]  }
0x89: {  	s3 =	sld [smem:$0x3FFE];
	_ =	sdelay $0x1  }
0x8a: {  	s1 =	srdreg.scid  }
0x8b: {  	s0 =	sand.u32 $0x1, s1  }
0x8c: {  	s17 =	sshll.u32 s0, $0xA;
	s2 =	sadd.s32 s3, s2  }
0x8d: {  	s2 =	sadd.s32 s2, s17  }
0x8e: {  	[smem:$0x3FBE] =	sst s2  }
0x8f: {  	_ = 	snop  }
0x90: {  	s2 =	sld [smem:$0x3FD0];
	(tm) =	ssettm $0x1  }
0x91: {  	s18 =	sld [smem:$0x3FFB];
	_ =	sdelay $0x3  }
0x92: {  	_ =	strace s18  }
0x93: {  	s3 =	sld [smem:$0x3FFC];
	_ =	sdelay $0x3  }
0x94: {  	_ =	strace s3  }
0x95: {  	s3 =	sld [smem:$0x3FFD];
	_ =	sdelay $0x3  }
0x96: {  	_ =	strace s3  }
0x97: {  	_ =	strace $0x8FFFFFFF  }
0x98: {  	s19 =	sld [smem:$0x3FDB];
	_ =	sdelay $0x1  }
0x99: {  	s4 =	simm.s32 $_scs_section_size  }
0x9a: {  	s5 =	simm.s32 $_size__tile_overlayer_lowered;
	s6 =	simm.s32 $_tile_overlayer_lowered  }
0x9b: {  	s22 =	simm.s32 $0x1BFF;
	s21 =	sshll.u32 s6, $0x1;
	s3 =	sadd.s32 s4, s19  }
0x9c: {  	s7 =	simm.s32 $0x0;
	s20 =	sshll.u32 s5, $0x1;
	s5 =	sadd.s32 s21, s3  }
0x9d: {  	[timem:s7], [sflag:s22] =	dma.local [hbm:s5], s20  }
0x9e: {  	_ =	swait.ge [sflag:s22], s20  }
0x9f: {  	s4 =	ssub.s32 $0x0, s20;
	[sflag:s22] =	ssyncset.done $0x0  }
0xa0: {  	[sflag:s22] =	ssyncadd.s32 s4;
	_ =	sdelay $0x1  }
0xa1: {  	s23 =	simm.s32 $0x1B8B  }
0xa2: {  	_ =	swait.ge [sflag:s23], $0x1  }
0xa3: {  	[sflag:s23] =	ssyncset.done $0x0  }
0xa4: {  	s25 =	simm.s32 $0x1B8E;
	s24 =	sld [smem:$0x3FFE];
	[sflag:s23] =	ssyncadd.s32 $0xFFFFFFFF  }
0xa5: {  	s26 =	simm.s32 $execute0_lowered;
	[smem:$0x3FD2] =	sst s25  }
0xa6: {  	s5 =	sshll.u32 s26, $0x1;
	_ =	strace $0x80000049;
	[dreg:$0x1] =	wrdreg $0xFFFFFFFF  }
0xa7: {  	s28 =	simm.s32 $_size_execute0_lowered;
	s3 =	sadd.s32 s3, s5;
	[dreg:$0x0] =	wrdreg $0x0  }
0xa8: {  	s5 =	sshll.u32 s28, $0x1;
	[dreg:$0x2] =	wrdreg s3  }
0xa9: {  	[dreg:$0x3] =	wrdreg s5  }
0xaa: {  	[dreg:$0x4] =	wrdreg $0xC0  }
0xab: {  	_ =	task [dreg:s7], $0x5FFFF  }
0xac: {  	[dreg:$0x1] =	wrdreg $0xFFFFFFFF  }
0xad: {  	[dreg:$0x0] =	wrdreg $0x60  }
0xae: {  	[dreg:$0x2] =	wrdreg s2  }
0xaf: {  	[dreg:$0x3] =	wrdreg s24  }
0xb0: {  	[dreg:$0x4] =	wrdreg $0x9  }
0xb1: {  	_ =	task.clear_ibuf [dreg:s7], $0x5FFFF;
	_ =	strace $0x90000049  }
0xb2: {  	s29 =	simm.s32 $0x9;
	_ =	strace $0x8000004B  }
0xb3: {  	_ =	swait.ge [sflag:s29], $0x1  }
0xb4: {  	[sflag:s29] =	ssyncadd.s32 $0xFFFFFFFF  }
0xb5: {  	_ =	strace $0x9000004B  }
0xb6: {  	_ =	sfence  }
0xb7: {  	s30 =	sld [smem:$0x0];
	_ =	sdelay $0x2  }
0xb8: {  	s31 =	sshll.u32 s1, $0xD;
	s1 =	sshrl.u32 s1, $0x2  }
0xb9: {  	s3 =	sand.u32 $0x4000, s31;
	s1 =	sadd.s32 s1, s30  }
0xba: {  	s0 =	sor.u32 s3, s0;
	s1 =	sshll.u32 s1, $0x11  }
0xbb: {  	s0 =	sor.u32 s1, s0  }
0xbc: {  	s0 =	sadd.s32 $0x8F2B, s0  }
0xbd: {  	[sflag:s0] =	ssyncadd.remote.s32 $0x1  }
0xbe: {  	_ =	sfence.sel $0xFFFF  }
0xbf: {  	[dreg:$0x0] =	wrdreg $0xFFFFFFFF;
	(pc) =	sbr.abs _section_cstart, $3  }
0xc0: {  	[dreg:$0x1] =	wrdreg $0xFFFFFFFF  }
0xc1: {  	_ =	task.clear_ibuf [dreg:s7], $0x2FFFF;
	_ =	strace $0x9FFFFFFF  }
0xc2: {  	(tm) =	ssettm $0x7FFFFFFF  }
0xc3: {  	_ =	shalt  }
tec
execute0_lowered:
.L_overlay_start_1:
0x0: {  	(tag) =	ssettag $0x1  }
0x1: {  	s1 =	srdreg.scid  }
0x2: {  	s0 =	stileid.u32;
	s4 =	rddreg [dreg:$0x0]  }
0x3: {  	s5 =	rddreg [dreg:$0x1];
	s2 =	simm.s32 $0x0;
	s11 =	simm.s32 $0x1  }
0x4: {  	s12 =	simm.s32 $0x2780;
	s13 =	simm.s32 $0x4F00;
	s14 =	simm.s32 $0x7680  }
0x5: {  	s15 =	simm.s32 $0x9E00;
	s16 =	simm.s32 $0xC510;
	s17 =	simm.s32 $0xEC20  }
0x6: {  	s18 =	simm.s32 $0x0;
	s3 =	sand.u32 $0x1, s1;
	s30 =	sshll.u32 s0, $0x1  }
0x7: {  	s1 =	rddreg [dreg:$0x2];
	s6 =	sor.u32 s3, s30;
	s3 =	ssub.s32 $0x2, s3  }
0x8: {  	[smem:$0x7FF] =	sst s2;
	s6 =	smul.u32 $0x2710, s6;
	s31 =	sshrl.u32 s3, $0x1  }
.Ltmp0:
0x9: {  	s8 =	sadd.s32 $0x14800, s5;
	s10 =	ssub.s32 s3, s31;
	(pc) =	sbr.rel .LBB2_1-.Ltmp0, $4  }
0xa: {  	_ =	strace $0x8000004A;
	s6 =	sshrl.u32 s6, $0x3;
	s10 =	smax.u32 s10, $0x1  }
0xb: {  	s7 =	sadd.s32 s6, s5;
	s3 =	sadd.s32 s4, s6;
	s9 =	sadd.s32 $0x9C40, s6  }
0xc: {  	s6 =	sadd.s32 s8, s6;
	s4 =	sadd.s32 s4, s9;
	s5 =	sadd.s32 $0xAA00, s7  }
0xd: {  	v0 =	vimm.f32 $0.0e+00;
	v1 =	vimm.f32 $1.000000000e+00;
	s7 =	sadd.s32 $0xC00, s7;
	s8 =	sadd.s32 s8, s9;
	s9 =	sadd.s32 $0x13880, s6  }
.LBB2_25:
0xe: {  	[hbm4b:s6+s2] =	stream.linear.scatter [tilespmem:s15], [sflag:$0x1], $0x2710, $0x38;
	[tilespmem:$0x11380] =	vst v63  }
0xf: {  	_ =	swait.ge [sflag:s11], $0x2710  }
0x10: {  	[sflag:s11] =	ssyncset.done $0x0  }
0x11: {  	[sflag:s11] =	ssyncadd.s32 $0xFFFFD8F0  }
0x12: {  	[hbm4b:s8+s2] =	stream.linear.scatter [tilespmem:s16], [sflag:$0x1], $0x2710, $0x38;
	[tilespmem:$0x11380] =	vst v63  }
0x13: {  	s18 =	sadd.s32 $0x1, s18;
	_ =	swait.ge [sflag:s11], $0x2710  }
0x14: {  	p0 =	sne.s32 s18, s10;
	[sflag:s11] =	ssyncset.done $0x0  }
.Ltmp1:
0x15: {  	[sflag:s11] =	ssyncadd.s32 $0xFFFFD8F0;
	(pc) =	sbr.rel @!p0 .LBB2_26-.Ltmp1, $4  }
0x16: {  	[hbm4b:s9+s2] =	stream.linear.scatter [tilespmem:s17], [sflag:$0x1], $0x2710, $0x38;
	[tilespmem:$0x11380] =	vst v63  }
0x17: {  	_ =	swait.ge [sflag:s11], $0x2710  }
0x18: {  	[sflag:s11] =	ssyncset.done $0x0  }
0x19: {  	[sflag:s11] =	ssyncadd.s32 $0xFFFFD8F0  }
.LBB2_1:
0x1a: {  	[tilespmem:s2], [sflag:$0x1] =	stream.linear.gather [hbm4b:s3+s2], $0x2710, $0x38;
	[tilespmem:$0x11380] =	vst v63  }
0x1b: {  	_ =	swait.ge [sflag:s11], $0x2710  }
0x1c: {  	[sflag:s11] =	ssyncset.done $0x0  }
0x1d: {  	[sflag:s11] =	ssyncadd.s32 $0xFFFFD8F0  }
0x1e: {  	[tilespmem:s12], [sflag:$0x1] =	stream.linear.gather [hbm4b:s4+s2], $0x2710, $0x38;
	[tilespmem:$0x11380] =	vst v63  }
0x1f: {  	_ =	swait.ge [sflag:s11], $0x2710  }
0x20: {  	[sflag:s11] =	ssyncset.done $0x0  }
0x21: {  	[sflag:s11] =	ssyncadd.s32 $0xFFFFD8F0  }
0x22: {  	[tilespmem:s13], [sflag:$0x1] =	stream.linear.gather [hbm4b:s5+s2], $0x2710, $0x38;
	[tilespmem:$0x11380] =	vst v63  }
0x23: {  	_ =	swait.ge [sflag:s11], $0x2710  }
0x24: {  	[sflag:s11] =	ssyncset.done $0x0  }
0x25: {  	[sflag:s11] =	ssyncadd.s32 $0xFFFFD8F0  }
0x26: {  	[tilespmem:s14], [sflag:$0x1] =	stream.linear.gather [hbm4b:s7+s2], $0x2710, $0x38;
	[tilespmem:$0x11380] =	vst v63  }
0x27: {  	_ =	swait.ge [sflag:s11], $0x2710  }
0x28: {  	[sflag:s11] =	ssyncset.done $0x0  }
0x29: {  	s19 =	simm.s32 $0x9E70;
	[sflag:s11] =	ssyncadd.s32 $0xFFFFD8F0  }
0x2a: {  	[tilespmem:s19+$0xFFFFFFA0] =	vst v0  }
0x2b: {  	[tilespmem:s19+$0xFFFFFFB0] =	vst v0  }
0x2c: {  	[tilespmem:s19+$0xFFFFFFC0] =	vst v0  }
0x2d: {  	[tilespmem:s19+$0xFFFFFFD0] =	vst v0  }
0x2e: {  	[tilespmem:s19+$0xFFFFFFE0] =	vst v0  }
0x2f: {  	[tilespmem:s19+$0xFFFFFFF0] =	vst v0  }
0x30: {  	[tilespmem:s19+$0x0] =	vst v0  }
0x31: {  	s21 =	sand.u32 $0x7FF0, s2;
	s20 =	simm.s32 $0xF0;
	[tilespmem:s19+$0xFFFFFF90] =	vst v0  }
.LBB2_2:
0x32: {  	p0 =	sne.s32 s20, $0x7440;
	[tilespmem:s21+$0x9E80] =	vst v0  }
0x33: {  	[tilespmem:s19+$0x20] =	vst v0  }
0x34: {  	[tilespmem:s19+$0x30] =	vst v0  }
0x35: {  	[tilespmem:s19+$0x40] =	vst v0  }
0x36: {  	[tilespmem:s19+$0x50] =	vst v0  }
0x37: {  	[tilespmem:s19+$0x60] =	vst v0  }
0x38: {  	[tilespmem:s19+$0x70] =	vst v0;
	s19 =	sadd.s32 $0xF0, s19  }
0x39: {  	[tilespmem:s19+$0xFFFFFFA0] =	vst v0  }
0x3a: {  	[tilespmem:s19+$0xFFFFFFB0] =	vst v0  }
0x3b: {  	[tilespmem:s19+$0xFFFFFFC0] =	vst v0  }
.Ltmp2:
0x3c: {  	[tilespmem:s19+$0xFFFFFFD0] =	vst v0;
	(pc) =	sbr.rel @p0 .LBB2_2-.Ltmp2, $4  }
0x3d: {  	[tilespmem:s19+$0xFFFFFFE0] =	vst v0  }
0x3e: {  	[tilespmem:s19+$0xFFFFFFF0] =	vst v0  }
0x3f: {  	[tilespmem:s19+$0x0] =	vst v0  }
0x40: {  	s21 =	sand.u32 $0x7FF0, s20;
	s20 =	sadd.s32 $0xF0, s20;
	[tilespmem:s19+$0xFFFFFF90] =	vst v0  }
0x41: {  	[tilespmem:s21+$0x9E80] =	vst v0  }
0x42: {  	[tilespmem:s19+$0x20] =	vst v0  }
.Ltmp3:
0x43: {  	[tilespmem:s19+$0x30] =	vst v0;
	(pc) =	sbr.rel .LBB2_4-.Ltmp3, $4  }
0x44: {  	[tilespmem:s19+$0x40] =	vst v0  }
0x45: {  	[tilespmem:s19+$0x50] =	vst v0  }
0x46: {  	[tilespmem:s19+$0x60] =	vst v0  }
0x47: {  	[tilespmem:s19+$0x70] =	vst v0;
	s19 =	simm.s32 $0x0  }
.LBB2_24:
0x48: {  	s19 =	sadd.s32 $0x1, s19  }
0x49: {  	p0 =	sne.s32 s19, $0x7D  }
.Ltmp4:
0x4a: {  	_ = 	snop;
	(pc) =	sbr.rel @!p0 .LBB2_25-.Ltmp4, $1  }
0x4b: {  	_ =	sdelay $0x3  }
.LBB2_4:
0x4c: {  	s20 =	smul.u32 $0x50, s19;
	_ =	sdelay $0x1  }
0x4d: {  	v2 =	vld [tilespmem:s20+$0x4F00];
	_ =	sdelay $0x4  }
0x4e: {  	(xrf1) =	vunique.msk.u32 $0xffff, v2;
	_ =	sdelay $0xd  }
0x4f: {  	_, v3, _ =	vpop (xrf1)  }
0x50: {  	vm0 =	veq.s32 v3, $0x1  }
0x51: {  	v4 =	vsel vm0, $0x0, v1  }
0x52: {  	(xrf0) =	vmax.scan.msk.f32 $0xffff, v4;
	_ =	sdelay $0x5  }
0x53: {  	v4, _, _ =	vpop (xrf0)  }
0x54: {  	(v2sf) =	vpush v4, $0xF;
	_ =	sdelay $0xb  }
0x55: {  	v7 =	vld [tilespmem:s20+$0x0]  }
0x56: {  	v4 =	vld [tilespmem:s20+$0x7680]  }
0x57: {  	v8 =	vld [tilespmem:s20+$0x2780]  }
0x58: {  	v5 =	vadd.s32 $0x2710, v2;
	s21 =	spop (v2sf)  }
0x59: {  	v6 =	vadd.s32 $0x4E20, v2;
	p0 =	sgt.f32 s21, $0.0e+00  }
.Ltmp5:
0x5a: {  	_ = 	snop;
	(pc) =	sbr.rel @!p0 .LBB2_8-.Ltmp5, $4  }
0x5b: {  	v7 =	vmul.f32 v7, v4  }
0x5c: {  	v8 =	vmul.f32 v8, v4;
	[tilespmem:v2+s15+$0x0] =	vst.idx.add.f32.msk vm0, v4  }
0x5d: {  	[tilespmem:v5+s15+$0x0] =	vst.idx.add.f32.msk vm0, v7  }
0x5e: {  	[tilespmem:v6+s15+$0x0] =	vst.idx.add.f32.msk vm0, v8;
	s21 =	simm.s32 $0x2  }
0x5f: {  	vm1 =	veq.s32 v3, s21  }
0x60: {  	vm0 =	vmmov vm1  }
0x61: {  	s22 =	simm.s32 $0x3;
	vm2 =	vmmov vm1  }
.LBB2_6:
0x62: {  	p0 =	sne.s32 s22, $0x10  }
.Ltmp6:
0x63: {  	_ = 	snop;
	(pc) =	sbr.rel @p0 .LBB2_6-.Ltmp6, $4  }
0x64: {  	_ = 	snop  }
0x65: {  	[tilespmem:v2+s15+$0x0] =	vst.idx.add.f32.msk vm1, v4;
	vm1 =	veq.s32 v3, s22  }
0x66: {  	[tilespmem:v5+s15+$0x0] =	vst.idx.add.f32.msk vm0, v7;
	vm0 =	vmmov vm1  }
0x67: {  	s22 =	sadd.s32 $0x1, s22;
	[tilespmem:v6+s15+$0x0] =	vst.idx.add.f32.msk vm2, v8;
	vm2 =	vmmov vm1  }
0x68: {  	_ =	sdelay $0x4  }
0x69: {  	[tilespmem:v2+s15+$0x0] =	vst.idx.add.f32.msk vm1, v4  }
0x6a: {  	[tilespmem:v5+s15+$0x0] =	vst.idx.add.f32.msk vm0, v7  }
0x6b: {  	[tilespmem:v6+s15+$0x0] =	vst.idx.add.f32.msk vm2, v8  }
.LBB2_8:
0x6c: {  	v2 =	vld [tilespmem:s20+$0x4F10];
	_ =	sdelay $0x4  }
0x6d: {  	(xrf1) =	vunique.msk.u32 $0xffff, v2;
	_ =	sdelay $0xd  }
0x6e: {  	_, v3, _ =	vpop (xrf1)  }
0x6f: {  	vm0 =	veq.s32 v3, $0x1  }
0x70: {  	v4 =	vsel vm0, $0x0, v1  }
0x71: {  	(xrf0) =	vmax.scan.msk.f32 $0xffff, v4;
	_ =	sdelay $0x5  }
0x72: {  	v4, _, _ =	vpop (xrf0)  }
0x73: {  	(v2sf) =	vpush v4, $0xF;
	_ =	sdelay $0xb  }
0x74: {  	v7 =	vld [tilespmem:s20+$0x10]  }
0x75: {  	v4 =	vld [tilespmem:s20+$0x7690]  }
0x76: {  	v8 =	vld [tilespmem:s20+$0x2790]  }
0x77: {  	v5 =	vadd.s32 $0x2710, v2;
	s22 =	spop (v2sf)  }
0x78: {  	v6 =	vadd.s32 $0x4E20, v2;
	p0 =	sgt.f32 s22, $0.0e+00  }
.Ltmp7:
0x79: {  	_ = 	snop;
	(pc) =	sbr.rel @!p0 .LBB2_12-.Ltmp7, $4  }
0x7a: {  	v7 =	vmul.f32 v7, v4  }
0x7b: {  	v8 =	vmul.f32 v8, v4;
	[tilespmem:v2+s15+$0x0] =	vst.idx.add.f32.msk vm0, v4  }
0x7c: {  	[tilespmem:v5+s15+$0x0] =	vst.idx.add.f32.msk vm0, v7  }
0x7d: {  	[tilespmem:v6+s15+$0x0] =	vst.idx.add.f32.msk vm0, v8  }
0x7e: {  	vm1 =	veq.s32 v3, s21  }
0x7f: {  	vm0 =	vmmov vm1  }
0x80: {  	s21 =	simm.s32 $0x3;
	vm2 =	vmmov vm1  }
.LBB2_10:
0x81: {  	p0 =	sne.s32 s21, $0x10  }
.Ltmp8:
0x82: {  	_ = 	snop;
	(pc) =	sbr.rel @p0 .LBB2_10-.Ltmp8, $4  }
0x83: {  	_ = 	snop  }
0x84: {  	[tilespmem:v2+s15+$0x0] =	vst.idx.add.f32.msk vm1, v4;
	vm1 =	veq.s32 v3, s21  }
0x85: {  	[tilespmem:v5+s15+$0x0] =	vst.idx.add.f32.msk vm0, v7;
	vm0 =	vmmov vm1  }
0x86: {  	s21 =	sadd.s32 $0x1, s21;
	[tilespmem:v6+s15+$0x0] =	vst.idx.add.f32.msk vm2, v8;
	vm2 =	vmmov vm1  }
0x87: {  	_ =	sdelay $0x4  }
0x88: {  	[tilespmem:v2+s15+$0x0] =	vst.idx.add.f32.msk vm1, v4  }
0x89: {  	[tilespmem:v5+s15+$0x0] =	vst.idx.add.f32.msk vm0, v7  }
0x8a: {  	[tilespmem:v6+s15+$0x0] =	vst.idx.add.f32.msk vm2, v8  }
.LBB2_12:
0x8b: {  	v2 =	vld [tilespmem:s20+$0x4F20];
	_ =	sdelay $0x4  }
0x8c: {  	(xrf1) =	vunique.msk.u32 $0xffff, v2;
	_ =	sdelay $0xd  }
0x8d: {  	_, v3, _ =	vpop (xrf1)  }
0x8e: {  	vm0 =	veq.s32 v3, $0x1  }
0x8f: {  	v4 =	vsel vm0, $0x0, v1  }
0x90: {  	(xrf0) =	vmax.scan.msk.f32 $0xffff, v4;
	_ =	sdelay $0x5  }
0x91: {  	v4, _, _ =	vpop (xrf0)  }
0x92: {  	(v2sf) =	vpush v4, $0xF;
	_ =	sdelay $0xb  }
0x93: {  	v7 =	vld [tilespmem:s20+$0x20]  }
0x94: {  	v4 =	vld [tilespmem:s20+$0x76A0]  }
0x95: {  	v8 =	vld [tilespmem:s20+$0x27A0]  }
0x96: {  	v5 =	vadd.s32 $0x2710, v2;
	s21 =	spop (v2sf)  }
0x97: {  	v6 =	vadd.s32 $0x4E20, v2;
	p0 =	sgt.f32 s21, $0.0e+00  }
.Ltmp9:
0x98: {  	_ = 	snop;
	(pc) =	sbr.rel @!p0 .LBB2_16-.Ltmp9, $4  }
0x99: {  	v7 =	vmul.f32 v7, v4  }
0x9a: {  	v8 =	vmul.f32 v8, v4;
	[tilespmem:v2+s15+$0x0] =	vst.idx.add.f32.msk vm0, v4  }
0x9b: {  	[tilespmem:v5+s15+$0x0] =	vst.idx.add.f32.msk vm0, v7  }
0x9c: {  	[tilespmem:v6+s15+$0x0] =	vst.idx.add.f32.msk vm0, v8;
	s21 =	simm.s32 $0x2  }
0x9d: {  	vm1 =	veq.s32 v3, s21  }
0x9e: {  	vm0 =	vmmov vm1  }
0x9f: {  	s22 =	simm.s32 $0x3;
	vm2 =	vmmov vm1  }
.LBB2_14:
0xa0: {  	p0 =	sne.s32 s22, $0x10  }
.Ltmp10:
0xa1: {  	_ = 	snop;
	(pc) =	sbr.rel @p0 .LBB2_14-.Ltmp10, $4  }
0xa2: {  	_ = 	snop  }
0xa3: {  	[tilespmem:v2+s15+$0x0] =	vst.idx.add.f32.msk vm1, v4;
	vm1 =	veq.s32 v3, s22  }
0xa4: {  	[tilespmem:v5+s15+$0x0] =	vst.idx.add.f32.msk vm0, v7;
	vm0 =	vmmov vm1  }
0xa5: {  	s22 =	sadd.s32 $0x1, s22;
	[tilespmem:v6+s15+$0x0] =	vst.idx.add.f32.msk vm2, v8;
	vm2 =	vmmov vm1  }
0xa6: {  	_ =	sdelay $0x4  }
0xa7: {  	[tilespmem:v2+s15+$0x0] =	vst.idx.add.f32.msk vm1, v4  }
0xa8: {  	[tilespmem:v5+s15+$0x0] =	vst.idx.add.f32.msk vm0, v7  }
0xa9: {  	[tilespmem:v6+s15+$0x0] =	vst.idx.add.f32.msk vm2, v8  }
.LBB2_16:
0xaa: {  	v2 =	vld [tilespmem:s20+$0x4F30];
	_ =	sdelay $0x4  }
0xab: {  	(xrf1) =	vunique.msk.u32 $0xffff, v2;
	_ =	sdelay $0xd  }
0xac: {  	_, v3, _ =	vpop (xrf1)  }
0xad: {  	vm0 =	veq.s32 v3, $0x1  }
0xae: {  	v4 =	vsel vm0, $0x0, v1  }
0xaf: {  	(xrf0) =	vmax.scan.msk.f32 $0xffff, v4;
	_ =	sdelay $0x5  }
0xb0: {  	v4, _, _ =	vpop (xrf0)  }
0xb1: {  	(v2sf) =	vpush v4, $0xF;
	_ =	sdelay $0xb  }
0xb2: {  	v7 =	vld [tilespmem:s20+$0x30]  }
0xb3: {  	v4 =	vld [tilespmem:s20+$0x76B0]  }
0xb4: {  	v8 =	vld [tilespmem:s20+$0x27B0]  }
0xb5: {  	v5 =	vadd.s32 $0x2710, v2;
	s22 =	spop (v2sf)  }
0xb6: {  	v6 =	vadd.s32 $0x4E20, v2;
	p0 =	sgt.f32 s22, $0.0e+00  }
.Ltmp11:
0xb7: {  	_ = 	snop;
	(pc) =	sbr.rel @!p0 .LBB2_20-.Ltmp11, $4  }
0xb8: {  	v7 =	vmul.f32 v7, v4  }
0xb9: {  	v8 =	vmul.f32 v8, v4;
	[tilespmem:v2+s15+$0x0] =	vst.idx.add.f32.msk vm0, v4  }
0xba: {  	[tilespmem:v5+s15+$0x0] =	vst.idx.add.f32.msk vm0, v7  }
0xbb: {  	[tilespmem:v6+s15+$0x0] =	vst.idx.add.f32.msk vm0, v8  }
0xbc: {  	vm1 =	veq.s32 v3, s21  }
0xbd: {  	vm0 =	vmmov vm1  }
0xbe: {  	s21 =	simm.s32 $0x3;
	vm2 =	vmmov vm1  }
.LBB2_18:
0xbf: {  	p0 =	sne.s32 s21, $0x10  }
.Ltmp12:
0xc0: {  	_ = 	snop;
	(pc) =	sbr.rel @p0 .LBB2_18-.Ltmp12, $4  }
0xc1: {  	_ = 	snop  }
0xc2: {  	[tilespmem:v2+s15+$0x0] =	vst.idx.add.f32.msk vm1, v4;
	vm1 =	veq.s32 v3, s21  }
0xc3: {  	[tilespmem:v5+s15+$0x0] =	vst.idx.add.f32.msk vm0, v7;
	vm0 =	vmmov vm1  }
0xc4: {  	s21 =	sadd.s32 $0x1, s21;
	[tilespmem:v6+s15+$0x0] =	vst.idx.add.f32.msk vm2, v8;
	vm2 =	vmmov vm1  }
0xc5: {  	_ =	sdelay $0x4  }
0xc6: {  	[tilespmem:v2+s15+$0x0] =	vst.idx.add.f32.msk vm1, v4  }
0xc7: {  	[tilespmem:v5+s15+$0x0] =	vst.idx.add.f32.msk vm0, v7  }
0xc8: {  	[tilespmem:v6+s15+$0x0] =	vst.idx.add.f32.msk vm2, v8  }
.LBB2_20:
0xc9: {  	v2 =	vld [tilespmem:s20+$0x4F40];
	_ =	sdelay $0x4  }
0xca: {  	(xrf1) =	vunique.msk.u32 $0xffff, v2;
	_ =	sdelay $0xd  }
0xcb: {  	_, v3, _ =	vpop (xrf1)  }
0xcc: {  	vm0 =	veq.s32 v3, $0x1  }
0xcd: {  	v4 =	vsel vm0, $0x0, v1  }
0xce: {  	(xrf0) =	vmax.scan.msk.f32 $0xffff, v4;
	_ =	sdelay $0x5  }
0xcf: {  	v4, _, _ =	vpop (xrf0)  }
0xd0: {  	(v2sf) =	vpush v4, $0xF;
	_ =	sdelay $0xb  }
0xd1: {  	v7 =	vld [tilespmem:s20+$0x40]  }
0xd2: {  	v4 =	vld [tilespmem:s20+$0x76C0]  }
0xd3: {  	v8 =	vld [tilespmem:s20+$0x27C0]  }
0xd4: {  	v5 =	vadd.s32 $0x2710, v2;
	s31 =	spop (v2sf)  }
0xd5: {  	v6 =	vadd.s32 $0x4E20, v2;
	p0 =	sgt.f32 s31, $0.0e+00  }
.Ltmp13:
0xd6: {  	_ = 	snop;
	(pc) =	sbr.rel @!p0 .LBB2_24-.Ltmp13, $4  }
0xd7: {  	v7 =	vmul.f32 v7, v4  }
0xd8: {  	v8 =	vmul.f32 v8, v4;
	[tilespmem:v2+s15+$0x0] =	vst.idx.add.f32.msk vm0, v4  }
0xd9: {  	[tilespmem:v5+s15+$0x0] =	vst.idx.add.f32.msk vm0, v7  }
0xda: {  	s20 =	simm.s32 $0x2;
	[tilespmem:v6+s15+$0x0] =	vst.idx.add.f32.msk vm0, v8  }
0xdb: {  	vm1 =	veq.s32 v3, s20  }
0xdc: {  	vm0 =	vmmov vm1  }
0xdd: {  	s20 =	simm.s32 $0x3;
	vm2 =	vmmov vm1  }
.LBB2_22:
0xde: {  	p0 =	sne.s32 s20, $0x10  }
.Ltmp14:
0xdf: {  	_ = 	snop;
	(pc) =	sbr.rel @p0 .LBB2_22-.Ltmp14, $4  }
0xe0: {  	_ = 	snop  }
0xe1: {  	[tilespmem:v2+s15+$0x0] =	vst.idx.add.f32.msk vm1, v4;
	vm1 =	veq.s32 v3, s20  }
0xe2: {  	[tilespmem:v5+s15+$0x0] =	vst.idx.add.f32.msk vm0, v7;
	vm0 =	vmmov vm1  }
0xe3: {  	s20 =	sadd.s32 $0x1, s20;
	[tilespmem:v6+s15+$0x0] =	vst.idx.add.f32.msk vm2, v8;
	vm2 =	vmmov vm1  }
0xe4: {  	_ =	sdelay $0x2  }
.Ltmp15:
0xe5: {  	_ = 	snop;
	(pc) =	sbr.rel .LBB2_24-.Ltmp15, $4  }
0xe6: {  	_ = 	snop  }
0xe7: {  	[tilespmem:v2+s15+$0x0] =	vst.idx.add.f32.msk vm1, v4  }
0xe8: {  	[tilespmem:v5+s15+$0x0] =	vst.idx.add.f32.msk vm0, v7  }
0xe9: {  	[tilespmem:v6+s15+$0x0] =	vst.idx.add.f32.msk vm2, v8  }
.LBB2_26:
0xea: {  	_ =	sfence.sel $0x180000  }
0xeb: {  	[bflag:$0x0] =	sbarrier.arrive $0xFFFF  }
0xec: {  	p0 =	sne.s32 s0, $0x0;
	_ =	strace $0x9000004A  }
0xed: {  	s0 =	sadd.s32 @!p0 $0x100000, s1;
	[bflag:$0x2] =	sbarrier.arrive $0xFFFF  }
0xee: {  	[sflag:s0] =	ssyncadd.tile.s32 @!p0 $0x1;
	_ =	shalt  }
.Lfunc_end2:
_tile_overlayer_lowered:
.L_overlay_start_2:
0xef: {  	(tag) =	ssettag $0x2  }
0xf0: {  	s0 =	rddreg [dreg:$0x0];
	s2 =	stileid.u32  }
0xf1: {  	s1 =	rddreg [dreg:$0x1];
	p0 =	sne.s32 s2, $0x0  }
0xf2: {  	s3 =	rddreg [dreg:$0x2];
	[bflag:$0x3] =	sbarrier.arrive $0xFFFF;
	s2 =	simm.s32 @!p0 $0x1C01  }
0xf3: {  	[timem:s3], [sflag:s2] =	dma.local @!p0 [hbm:s0], s1  }
0xf4: {  	s0 =	simm.s32 @!p0 $0x1  }
0xf5: {  	_ =	swait.ge @!p0 [sflag:s0], s1  }
0xf6: {  	s1 =	ssub.s32 @!p0 $0x0, s1;
	[sflag:s0] =	ssyncset.done @!p0 $0x0  }
0xf7: {  	[sflag:s0] =	ssyncadd.s32 @!p0 s1  }
0xf8: {  	[bflag:$0x3] =	sbarrier.arrive $0xFFFF  }
0xf9: {  	_ =	shalt  }

</sc_bundles>
